<compile_context>
chip_gen: v7x
topology: tpu7x:2x2x1
jax: 0.10.2.dev20260603
libtpu: 0.0.44.dev20260713+nightly
codegen_flags: <defaults>
</compile_context>

<pallas_src>
import functools

import jax
import jax.numpy as jnp
from jax.experimental import pallas as pl

BATCH = 512
P = 13
NP = 15
IN_CH = 8
WIDTH = 64
HORIZON = 30
S = 64
MAX_SPEED = 30.0


def _dot(a, b):
    return jax.lax.dot(a, b, preferred_element_type=jnp.float32)


def _ln(x, g, b, eps=1e-5):
    m = jnp.full((WIDTH, WIDTH), 1.0 / WIDTH, dtype=jnp.float32)
    mu = _dot(x, m)
    msq = _dot(x * x, m)
    var = msq - mu * mu
    return (x - mu) * (jax.lax.rsqrt(var + eps) * g) + b


def _chunk_max(z, c):
    red = z[0:c]
    for n in range(1, NP):
        red = jnp.maximum(red, z[n * c:(n + 1) * c])
    return red


def _body(x_ref, w0, b0, g0, be0, w1, b1, g1, be1, w2, b2, g2, be2,
          wp, bp, wq, wk, wv, wt1, bt1, gt, bet, wt2, bt2, out_ref):
    c = P * S
    xf = x_ref[0]

    z = jax.nn.relu(_ln(_dot(xf, w0[...]) + b0[...], g0[...], be0[...]))
    agg = _chunk_max(z, c)

    for w, b, g, be in ((w1, b1, g1, be1), (w2, b2, g2, be2)):
        top = _dot(z, w[0:WIDTH, :])
        bot = _dot(agg, w[WIDTH:2 * WIDTH, :])
        u = top + jnp.concatenate([bot] * NP, axis=0) + b[...]
        z = jax.nn.relu(_ln(u, g[...], be[...]))
        agg = _chunk_max(z, c)

    wps = wp[0:WIDTH, :] + wp[WIDTH:2 * WIDTH, :]
    poly = _dot(agg, wps) + bp[...]

    q = _dot(poly, wq[...])
    k = _dot(poly, wk[...])
    v = _dot(poly, wv[...])
    sc = jax.lax.dot_general(q, k, (((1,), (1,)), ((), ())),
                             preferred_element_type=jnp.float32)
    sc = sc * (1.0 / (WIDTH ** 0.5))
    ii = jax.lax.broadcasted_iota(jnp.int32, (c, c), 0) % S
    jj = jax.lax.broadcasted_iota(jnp.int32, (c, c), 1) % S
    sc = jnp.where(ii == jj, sc, -1e30)
    m = jnp.max(sc, axis=-1, keepdims=True)
    e = jnp.exp(sc - m)
    att = e / jnp.sum(e, axis=-1, keepdims=True)
    glob = _dot(att, v)

    h1 = _dot(glob[0:S], wt1[0:WIDTH, :])
    for p_i in range(1, P):
        h1 = h1 + _dot(glob[p_i * S:(p_i + 1) * S],
                       wt1[p_i * WIDTH:(p_i + 1) * WIDTH, :])
    h1 = jax.nn.relu(_ln(h1 + bt1[...], gt[...], bet[...]))
    out_ref[...] = jax.nn.sigmoid(_dot(h1, wt2[...]) + bt2[...]) * MAX_SPEED


@jax.jit
def kernel(x, cluster, edge_index, W_sub0, b_sub0, g_sub0, be_sub0,
           W_sub1, b_sub1, g_sub1, be_sub1, W_sub2, b_sub2, g_sub2, be_sub2,
           W_poly, b_poly, W_q, W_k, W_v, W_t1, b_t1, g_t, be_t, W_t2, b_t2):
    del cluster, edge_index
    nb = BATCH // S
    import numpy as _np
    _s, _p, _n = _np.meshgrid(_np.arange(S), _np.arange(P), _np.arange(NP),
                              indexing='ij')
    _base = (_s * (P * NP) + _p * NP + _n).transpose(2, 1, 0).reshape(-1)
    _idx = (_np.arange(nb)[:, None] * (S * P * NP) + _base[None, :]).reshape(-1)
    x3 = jnp.take(x, jnp.asarray(_idx, dtype=jnp.int32), axis=0)
    x3 = x3.reshape(nb, NP * P * S, IN_CH)

    row = lambda a: a.reshape(1, -1)
    grid = (BATCH // S,)
    full = lambda a: pl.BlockSpec(a.shape, lambda j: (0,) * a.ndim)
    weights = [W_sub0, row(b_sub0), row(g_sub0), row(be_sub0),
               W_sub1, row(b_sub1), row(g_sub1), row(be_sub1),
               W_sub2, row(b_sub2), row(g_sub2), row(be_sub2),
               W_poly, row(b_poly), W_q, W_k, W_v,
               W_t1, row(b_t1), row(g_t), row(be_t), W_t2, row(b_t2)]

    return pl.pallas_call(
        _body,
        grid=grid,
        in_specs=[pl.BlockSpec((1, NP * P * S, IN_CH), lambda j: (j, 0, 0))]
        + [full(w) for w in weights],
        out_specs=pl.BlockSpec((S, HORIZON), lambda j: (j, 0)),
        out_shape=jax.ShapeDtypeStruct((BATCH, HORIZON), jnp.float32),
    )(x3, *weights)

# --- scband reference (transcript-rebuilt; emitter-appended) ---
"""Pipeline reference for scband-vector-net-20899310862586 (READ-ONLY COPY).

The authoritative reference and input builder live on the scoring server;
editing this copy changes nothing except your own understanding.
"""

import jax, jax.numpy as jnp
import numpy as np

MAX_SPEED = 30.0
BATCH = 512
POLY_PER_SAMPLE = 13
NODES_PER_POLY = 15
N_POLY = BATCH * POLY_PER_SAMPLE
N_NODES = N_POLY * NODES_PER_POLY
IN_CH = 8
WIDTH = 64
HORIZON = 30


def _ln(x, g, b, eps=1e-5):
    mu = jnp.mean(x, axis=-1, keepdims=True)
    var = jnp.var(x, axis=-1, keepdims=True)
    return (x - mu) / jnp.sqrt(var + eps) * g + b


def setup_inputs(seed: int = 0) -> dict:
    key = jax.random.key(seed)
    ks = jax.random.split(key, 16)
    inp = {}
    inp['x'] = jax.random.normal(ks[0], (N_NODES, IN_CH), dtype=jnp.float32)
    inp['cluster'] = jnp.repeat(jnp.arange(N_POLY, dtype=jnp.int32), NODES_PER_POLY)
    inp['edge_index'] = jax.random.randint(ks[1], (2, 2 * N_NODES), 0, N_NODES, dtype=jnp.int32)
    dims = [(IN_CH, WIDTH), (2 * WIDTH, WIDTH), (2 * WIDTH, WIDTH)]
    for i, (din, dout) in enumerate(dims):
        inp['W_sub%d' % i] = jax.random.normal(ks[2 + i], (din, dout), dtype=jnp.float32) / np.sqrt(din)
        inp['b_sub%d' % i] = jnp.zeros((dout,), dtype=jnp.float32)
        inp['g_sub%d' % i] = jnp.ones((dout,), dtype=jnp.float32)
        inp['be_sub%d' % i] = jnp.zeros((dout,), dtype=jnp.float32)
    inp['W_poly'] = jax.random.normal(ks[5], (2 * WIDTH, WIDTH), dtype=jnp.float32) / np.sqrt(2 * WIDTH)
    inp['b_poly'] = jnp.zeros((WIDTH,), dtype=jnp.float32)
    inp['W_q'] = jax.random.normal(ks[6], (WIDTH, WIDTH), dtype=jnp.float32) / np.sqrt(WIDTH)
    inp['W_k'] = jax.random.normal(ks[7], (WIDTH, WIDTH), dtype=jnp.float32) / np.sqrt(WIDTH)
    inp['W_v'] = jax.random.normal(ks[8], (WIDTH, WIDTH), dtype=jnp.float32) / np.sqrt(WIDTH)
    inp['W_t1'] = jax.random.normal(ks[9], (WIDTH * POLY_PER_SAMPLE, WIDTH), dtype=jnp.float32) / np.sqrt(WIDTH * POLY_PER_SAMPLE)
    inp['b_t1'] = jnp.zeros((WIDTH,), dtype=jnp.float32)
    inp['g_t'] = jnp.ones((WIDTH,), dtype=jnp.float32)
    inp['be_t'] = jnp.zeros((WIDTH,), dtype=jnp.float32)
    inp['W_t2'] = jax.random.normal(ks[10], (WIDTH, HORIZON), dtype=jnp.float32) / np.sqrt(WIDTH)
    inp['b_t2'] = jnp.zeros((HORIZON,), dtype=jnp.float32)
    return inp


def reference(x, cluster, edge_index, W_sub0, b_sub0, g_sub0, be_sub0, W_sub1, b_sub1, g_sub1, be_sub1, W_sub2, b_sub2, g_sub2, be_sub2, W_poly, b_poly, W_q, W_k, W_v, W_t1, b_t1, g_t, be_t, W_t2, b_t2):
    # edge_index is carried for signature fidelity; subgraph message passing is
    # the polyline-level max-pool (as in VectorNet), global graph is dense attention.
    h = x
    layers = ((W_sub0, b_sub0, g_sub0, be_sub0), (W_sub1, b_sub1, g_sub1, be_sub1), (W_sub2, b_sub2, g_sub2, be_sub2))
    for Wl, bl, gl, bel in layers:
        z = jax.nn.relu(_ln(h @ Wl + bl, gl, bel))
        agg = jax.ops.segment_max(z, cluster, num_segments=N_POLY)
        h = jnp.concatenate([z, jnp.take(agg, cluster, axis=0)], axis=-1)
    poly = jax.ops.segment_max(h, cluster, num_segments=N_POLY)
    poly = poly @ W_poly + b_poly
    gfeat = poly.reshape(BATCH, POLY_PER_SAMPLE, WIDTH)
    q = gfeat @ W_q
    k = gfeat @ W_k
    v = gfeat @ W_v
    att = jax.nn.softmax(jnp.einsum('bqd,bkd->bqk', q, k) / jnp.sqrt(float(WIDTH)), axis=-1)
    glob = jnp.einsum('bqk,bkd->bqd', att, v)
    feat = glob.reshape(BATCH, POLY_PER_SAMPLE * WIDTH)
    h1 = jax.nn.relu(_ln(feat @ W_t1 + b_t1, g_t, be_t))
    pred = jax.nn.sigmoid(h1 @ W_t2 + b_t2) * MAX_SPEED
    return pred

if __name__ == "__main__":
    import jax
    _d = setup_inputs()
    print(jax.jit(kernel)(*tuple(_d.values())))

</pallas_src>

<mosaic_0001>
module attributes {stable_mosaic.version = 14 : i64} {
  func.func @_body(%arg0: i32, %arg1: memref<1x12480x8xf32, #tpu.memory_space<vmem>>, %arg2: memref<8x64xf32, #tpu.memory_space<vmem>>, %arg3: memref<1x64xf32, #tpu.memory_space<vmem>>, %arg4: memref<1x64xf32, #tpu.memory_space<vmem>>, %arg5: memref<1x64xf32, #tpu.memory_space<vmem>>, %arg6: memref<128x64xf32, #tpu.memory_space<vmem>>, %arg7: memref<1x64xf32, #tpu.memory_space<vmem>>, %arg8: memref<1x64xf32, #tpu.memory_space<vmem>>, %arg9: memref<1x64xf32, #tpu.memory_space<vmem>>, %arg10: memref<128x64xf32, #tpu.memory_space<vmem>>, %arg11: memref<1x64xf32, #tpu.memory_space<vmem>>, %arg12: memref<1x64xf32, #tpu.memory_space<vmem>>, %arg13: memref<1x64xf32, #tpu.memory_space<vmem>>, %arg14: memref<128x64xf32, #tpu.memory_space<vmem>>, %arg15: memref<1x64xf32, #tpu.memory_space<vmem>>, %arg16: memref<64x64xf32, #tpu.memory_space<vmem>>, %arg17: memref<64x64xf32, #tpu.memory_space<vmem>>, %arg18: memref<64x64xf32, #tpu.memory_space<vmem>>, %arg19: memref<832x64xf32, #tpu.memory_space<vmem>>, %arg20: memref<1x64xf32, #tpu.memory_space<vmem>>, %arg21: memref<1x64xf32, #tpu.memory_space<vmem>>, %arg22: memref<1x64xf32, #tpu.memory_space<vmem>>, %arg23: memref<64x30xf32, #tpu.memory_space<vmem>>, %arg24: memref<1x30xf32, #tpu.memory_space<vmem>>, %arg25: memref<64x30xf32, #tpu.memory_space<vmem>>) attributes {dimension_semantics = [#tpu.dimension_semantics<arbitrary>], iteration_bounds = array<i64: 8>, scalar_prefetch = 0 : i64, scratch_operands = 0 : i64, tpu.core_type = #tpu.core_type<tc>, window_params = [{transform_indices = @transform_0, window_bounds = array<i64: 1, 12480, 8>}, {pipeline_mode = #tpu.pipeline_mode<synchronous>, transform_indices = @transform_1, window_bounds = array<i64: 8, 64>}, {pipeline_mode = #tpu.pipeline_mode<synchronous>, transform_indices = @transform_2, window_bounds = array<i64: 1, 64>}, {pipeline_mode = #tpu.pipeline_mode<synchronous>, transform_indices = @transform_3, window_bounds = array<i64: 1, 64>}, {pipeline_mode = #tpu.pipeline_mode<synchronous>, transform_indices = @transform_4, window_bounds = array<i64: 1, 64>}, {pipeline_mode = #tpu.pipeline_mode<synchronous>, transform_indices = @transform_5, window_bounds = array<i64: 128, 64>}, {pipeline_mode = #tpu.pipeline_mode<synchronous>, transform_indices = @transform_6, window_bounds = array<i64: 1, 64>}, {pipeline_mode = #tpu.pipeline_mode<synchronous>, transform_indices = @transform_7, window_bounds = array<i64: 1, 64>}, {pipeline_mode = #tpu.pipeline_mode<synchronous>, transform_indices = @transform_8, window_bounds = array<i64: 1, 64>}, {pipeline_mode = #tpu.pipeline_mode<synchronous>, transform_indices = @transform_9, window_bounds = array<i64: 128, 64>}, {pipeline_mode = #tpu.pipeline_mode<synchronous>, transform_indices = @transform_10, window_bounds = array<i64: 1, 64>}, {pipeline_mode = #tpu.pipeline_mode<synchronous>, transform_indices = @transform_11, window_bounds = array<i64: 1, 64>}, {pipeline_mode = #tpu.pipeline_mode<synchronous>, transform_indices = @transform_12, window_bounds = array<i64: 1, 64>}, {pipeline_mode = #tpu.pipeline_mode<synchronous>, transform_indices = @transform_13, window_bounds = array<i64: 128, 64>}, {pipeline_mode = #tpu.pipeline_mode<synchronous>, transform_indices = @transform_14, window_bounds = array<i64: 1, 64>}, {pipeline_mode = #tpu.pipeline_mode<synchronous>, transform_indices = @transform_15, window_bounds = array<i64: 64, 64>}, {pipeline_mode = #tpu.pipeline_mode<synchronous>, transform_indices = @transform_16, window_bounds = array<i64: 64, 64>}, {pipeline_mode = #tpu.pipeline_mode<synchronous>, transform_indices = @transform_17, window_bounds = array<i64: 64, 64>}, {pipeline_mode = #tpu.pipeline_mode<synchronous>, transform_indices = @transform_18, window_bounds = array<i64: 832, 64>}, {pipeline_mode = #tpu.pipeline_mode<synchronous>, transform_indices = @transform_19, window_bounds = array<i64: 1, 64>}, {pipeline_mode = #tpu.pipeline_mode<synchronous>, transform_indices = @transform_20, window_bounds = array<i64: 1, 64>}, {pipeline_mode = #tpu.pipeline_mode<synchronous>, transform_indices = @transform_21, window_bounds = array<i64: 1, 64>}, {pipeline_mode = #tpu.pipeline_mode<synchronous>, transform_indices = @transform_22, window_bounds = array<i64: 64, 30>}, {pipeline_mode = #tpu.pipeline_mode<synchronous>, transform_indices = @transform_23, window_bounds = array<i64: 1, 30>}, {transform_indices = @transform_24, window_bounds = array<i64: 64, 30>}]} {
    %get3A = arith.constant 0 : index
    %get3A_0 = arith.constant 0 : index
    %get3A_1 = arith.constant 0 : index
    %get3A_2 = vector.load %arg1[%get3A, %get3A_0, %get3A_1] : memref<1x12480x8xf32, #tpu.memory_space<vmem>>, vector<1x12480x8xf32>
    %get3A_3 = vector.shape_cast %get3A_2 : vector<1x12480x8xf32> to vector<12480x8xf32>
    %get3A_4 = arith.constant 0 : index
    %get3A_5 = arith.constant 0 : index
    %get3A_6 = vector.load %arg2[%get3A_4, %get3A_5] : memref<8x64xf32, #tpu.memory_space<vmem>>, vector<8x64xf32>
    %dot_general3A = arith.constant dense<0.000000e+00> : vector<12480x64xf32>
    %dot_general3A_7 = tpu.matmul %get3A_3, %get3A_6, %dot_general3A {dimension_numbers = #tpu.dot_dimension_numbers<[1], [0], [0], [1], [0, 0, 1, 1], [], []>, transpose_lhs_hint = false} : vector<12480x8xf32>, vector<8x64xf32>, vector<12480x64xf32> -> vector<12480x64xf32>
    %get3A_8 = arith.constant 0 : index
    %get3A_9 = arith.constant 0 : index
    %get3A_10 = vector.load %arg3[%get3A_8, %get3A_9] : memref<1x64xf32, #tpu.memory_space<vmem>>, vector<1x64xf32>
    %add3A = vector.broadcast %get3A_10 : vector<1x64xf32> to vector<12480x64xf32>
    %add3A_11 = arith.addf %dot_general3A_7, %add3A : vector<12480x64xf32>
    %get3A_12 = arith.constant 0 : index
    %get3A_13 = arith.constant 0 : index
    %get3A_14 = vector.load %arg4[%get3A_12, %get3A_13] : memref<1x64xf32, #tpu.memory_space<vmem>>, vector<1x64xf32>
    %get3A_15 = arith.constant 0 : index
    %get3A_16 = arith.constant 0 : index
    %get3A_17 = vector.load %arg5[%get3A_15, %get3A_16] : memref<1x64xf32, #tpu.memory_space<vmem>>, vector<1x64xf32>
    %reduce_sum3A = arith.constant dense<0.000000e+00> : vector<12480xf32>
    %reduce_sum3A_18 = vector.multi_reduction <add>, %add3A_11, %reduce_sum3A [1] : vector<12480x64xf32> to vector<12480xf32>
    %broadcast_in_dim3A = vector.shape_cast %reduce_sum3A_18 : vector<12480xf32> to vector<12480x1xf32>
    %div3A = arith.constant 6.400000e+01 : f32
    %div3A_19 = vector.broadcast %div3A : f32 to vector<12480x1xf32>
    %div3A_20 = arith.divf %broadcast_in_dim3A, %div3A_19 : vector<12480x1xf32>
    %jit3A = arith.constant 0 : i32
    %reduce_sum3A_21 = arith.constant dense<0.000000e+00> : vector<12480xf32>
    %reduce_sum3A_22 = vector.multi_reduction <add>, %add3A_11, %reduce_sum3A_21 [1] : vector<12480x64xf32> to vector<12480xf32>
    %broadcast_in_dim3A_23 = vector.shape_cast %reduce_sum3A_22 : vector<12480xf32> to vector<12480x1xf32>
    %div3A_24 = arith.constant 6.400000e+01 : f32
    %div3A_25 = vector.broadcast %div3A_24 : f32 to vector<12480x1xf32>
    %div3A_26 = arith.divf %broadcast_in_dim3A_23, %div3A_25 : vector<12480x1xf32>
    %sub3A = vector.broadcast %div3A_26 : vector<12480x1xf32> to vector<12480x64xf32>
    %sub3A_27 = arith.subf %add3A_11, %sub3A : vector<12480x64xf32>
    %square3A = arith.mulf %sub3A_27, %sub3A_27 : vector<12480x64xf32>
    %convert_element_type3A = arith.sitofp %jit3A : i32 to f32
    %sub3A_28 = arith.constant 6.400000e+01 : f32
    %sub3A_29 = arith.subf %sub3A_28, %convert_element_type3A : f32
    %reduce_sum3A_30 = arith.constant dense<0.000000e+00> : vector<12480xf32>
    %reduce_sum3A_31 = vector.multi_reduction <add>, %square3A, %reduce_sum3A_30 [1] : vector<12480x64xf32> to vector<12480xf32>
    %broadcast_in_dim3A_32 = vector.shape_cast %reduce_sum3A_31 : vector<12480xf32> to vector<12480x1xf32>
    %div3A_33 = vector.broadcast %sub3A_29 : f32 to vector<12480x1xf32>
    %div3A_34 = arith.divf %broadcast_in_dim3A_32, %div3A_33 : vector<12480x1xf32>
    %gt3A = arith.constant 0.000000e+00 : f32
    %gt3A_35 = arith.cmpf ogt, %sub3A_29, %gt3A : f32
    %jit3A_36 = arith.constant 0x7FC00000 : f32
    %broadcast_in_dim3A_37 = vector.broadcast %jit3A_36 : f32 to vector<12480x1xf32>
    %select_n3A = arith.select %gt3A_35, %div3A_34, %broadcast_in_dim3A_37 : vector<12480x1xf32>
    %sub3A_38 = vector.broadcast %div3A_20 : vector<12480x1xf32> to vector<12480x64xf32>
    %sub3A_39 = arith.subf %add3A_11, %sub3A_38 : vector<12480x64xf32>
    %add3A_40 = arith.constant 9.99999974E-6 : f32
    %add3A_41 = vector.broadcast %add3A_40 : f32 to vector<12480x1xf32>
    %add3A_42 = arith.addf %select_n3A, %add3A_41 : vector<12480x1xf32>
    %sqrt3A = math.sqrt %add3A_42 : vector<12480x1xf32>
    %div3A_43 = vector.broadcast %sqrt3A : vector<12480x1xf32> to vector<12480x64xf32>
    %div3A_44 = arith.divf %sub3A_39, %div3A_43 : vector<12480x64xf32>
    %mul3A = vector.broadcast %get3A_14 : vector<1x64xf32> to vector<12480x64xf32>
    %mul3A_45 = arith.mulf %div3A_44, %mul3A : vector<12480x64xf32>
    %add3A_46 = vector.broadcast %get3A_17 : vector<1x64xf32> to vector<12480x64xf32>
    %add3A_47 = arith.addf %mul3A_45, %add3A_46 : vector<12480x64xf32>
    %max3A = arith.constant 0.000000e+00 : f32
    %max3A_48 = vector.broadcast %max3A : f32 to vector<12480x64xf32>
    %max3A_49 = arith.maximumf %add3A_47, %max3A_48 : vector<12480x64xf32>
    %slice3A = vector.extract_strided_slice %max3A_49 {offsets = [0, 0], sizes = [832, 64], strides = [1, 1]} : vector<12480x64xf32> to vector<832x64xf32>
    %slice3A_50 = vector.extract_strided_slice %max3A_49 {offsets = [832, 0], sizes = [832, 64], strides = [1, 1]} : vector<12480x64xf32> to vector<832x64xf32>
    %max3A_51 = arith.maximumf %slice3A, %slice3A_50 : vector<832x64xf32>
    %slice3A_52 = vector.extract_strided_slice %max3A_49 {offsets = [1664, 0], sizes = [832, 64], strides = [1, 1]} : vector<12480x64xf32> to vector<832x64xf32>
    %max3A_53 = arith.maximumf %max3A_51, %slice3A_52 : vector<832x64xf32>
    %slice3A_54 = vector.extract_strided_slice %max3A_49 {offsets = [2496, 0], sizes = [832, 64], strides = [1, 1]} : vector<12480x64xf32> to vector<832x64xf32>
    %max3A_55 = arith.maximumf %max3A_53, %slice3A_54 : vector<832x64xf32>
    %slice3A_56 = vector.extract_strided_slice %max3A_49 {offsets = [3328, 0], sizes = [832, 64], strides = [1, 1]} : vector<12480x64xf32> to vector<832x64xf32>
    %max3A_57 = arith.maximumf %max3A_55, %slice3A_56 : vector<832x64xf32>
    %slice3A_58 = vector.extract_strided_slice %max3A_49 {offsets = [4160, 0], sizes = [832, 64], strides = [1, 1]} : vector<12480x64xf32> to vector<832x64xf32>
    %max3A_59 = arith.maximumf %max3A_57, %slice3A_58 : vector<832x64xf32>
    %slice3A_60 = vector.extract_strided_slice %max3A_49 {offsets = [4992, 0], sizes = [832, 64], strides = [1, 1]} : vector<12480x64xf32> to vector<832x64xf32>
    %max3A_61 = arith.maximumf %max3A_59, %slice3A_60 : vector<832x64xf32>
    %slice3A_62 = vector.extract_strided_slice %max3A_49 {offsets = [5824, 0], sizes = [832, 64], strides = [1, 1]} : vector<12480x64xf32> to vector<832x64xf32>
    %max3A_63 = arith.maximumf %max3A_61, %slice3A_62 : vector<832x64xf32>
    %slice3A_64 = vector.extract_strided_slice %max3A_49 {offsets = [6656, 0], sizes = [832, 64], strides = [1, 1]} : vector<12480x64xf32> to vector<832x64xf32>
    %max3A_65 = arith.maximumf %max3A_63, %slice3A_64 : vector<832x64xf32>
    %slice3A_66 = vector.extract_strided_slice %max3A_49 {offsets = [7488, 0], sizes = [832, 64], strides = [1, 1]} : vector<12480x64xf32> to vector<832x64xf32>
    %max3A_67 = arith.maximumf %max3A_65, %slice3A_66 : vector<832x64xf32>
    %slice3A_68 = vector.extract_strided_slice %max3A_49 {offsets = [8320, 0], sizes = [832, 64], strides = [1, 1]} : vector<12480x64xf32> to vector<832x64xf32>
    %max3A_69 = arith.maximumf %max3A_67, %slice3A_68 : vector<832x64xf32>
    %slice3A_70 = vector.extract_strided_slice %max3A_49 {offsets = [9152, 0], sizes = [832, 64], strides = [1, 1]} : vector<12480x64xf32> to vector<832x64xf32>
    %max3A_71 = arith.maximumf %max3A_69, %slice3A_70 : vector<832x64xf32>
    %slice3A_72 = vector.extract_strided_slice %max3A_49 {offsets = [9984, 0], sizes = [832, 64], strides = [1, 1]} : vector<12480x64xf32> to vector<832x64xf32>
    %max3A_73 = arith.maximumf %max3A_71, %slice3A_72 : vector<832x64xf32>
    %slice3A_74 = vector.extract_strided_slice %max3A_49 {offsets = [10816, 0], sizes = [832, 64], strides = [1, 1]} : vector<12480x64xf32> to vector<832x64xf32>
    %max3A_75 = arith.maximumf %max3A_73, %slice3A_74 : vector<832x64xf32>
    %slice3A_76 = vector.extract_strided_slice %max3A_49 {offsets = [11648, 0], sizes = [832, 64], strides = [1, 1]} : vector<12480x64xf32> to vector<832x64xf32>
    %max3A_77 = arith.maximumf %max3A_75, %slice3A_76 : vector<832x64xf32>
    %get3A_78 = arith.constant 0 : index
    %get3A_79 = arith.constant 0 : index
    %get3A_80 = vector.load %arg6[%get3A_78, %get3A_79] : memref<128x64xf32, #tpu.memory_space<vmem>>, vector<64x64xf32>
    %dot_general3A_81 = arith.constant dense<0.000000e+00> : vector<12480x64xf32>
    %dot_general3A_82 = tpu.matmul %max3A_49, %get3A_80, %dot_general3A_81 {dimension_numbers = #tpu.dot_dimension_numbers<[1], [0], [0], [1], [0, 0, 1, 1], [], []>, transpose_lhs_hint = false} : vector<12480x64xf32>, vector<64x64xf32>, vector<12480x64xf32> -> vector<12480x64xf32>
    %get3A_83 = arith.constant 64 : index
    %get3A_84 = arith.constant 0 : index
    %get3A_85 = vector.load %arg6[%get3A_83, %get3A_84] : memref<128x64xf32, #tpu.memory_space<vmem>>, vector<64x64xf32>
    %dot_general3A_86 = arith.constant dense<0.000000e+00> : vector<832x64xf32>
    %dot_general3A_87 = tpu.matmul %max3A_77, %get3A_85, %dot_general3A_86 {dimension_numbers = #tpu.dot_dimension_numbers<[1], [0], [0], [1], [0, 0, 1, 1], [], []>, transpose_lhs_hint = false} : vector<832x64xf32>, vector<64x64xf32>, vector<832x64xf32> -> vector<832x64xf32>
    %concatenate3A = tpu.concatenate %dot_general3A_87, %dot_general3A_87, %dot_general3A_87, %dot_general3A_87, %dot_general3A_87, %dot_general3A_87, %dot_general3A_87, %dot_general3A_87, %dot_general3A_87, %dot_general3A_87, %dot_general3A_87, %dot_general3A_87, %dot_general3A_87, %dot_general3A_87, %dot_general3A_87 in 0 : vector<832x64xf32>, vector<832x64xf32>, vector<832x64xf32>, vector<832x64xf32>, vector<832x64xf32>, vector<832x64xf32>, vector<832x64xf32>, vector<832x64xf32>, vector<832x64xf32>, vector<832x64xf32>, vector<832x64xf32>, vector<832x64xf32>, vector<832x64xf32>, vector<832x64xf32>, vector<832x64xf32> -> vector<12480x64xf32>
    %add3A_88 = arith.addf %dot_general3A_82, %concatenate3A : vector<12480x64xf32>
    %get3A_89 = arith.constant 0 : index
    %get3A_90 = arith.constant 0 : index
    %get3A_91 = vector.load %arg7[%get3A_89, %get3A_90] : memref<1x64xf32, #tpu.memory_space<vmem>>, vector<1x64xf32>
    %add3A_92 = vector.broadcast %get3A_91 : vector<1x64xf32> to vector<12480x64xf32>
    %add3A_93 = arith.addf %add3A_88, %add3A_92 : vector<12480x64xf32>
    %get3A_94 = arith.constant 0 : index
    %get3A_95 = arith.constant 0 : index
    %get3A_96 = vector.load %arg8[%get3A_94, %get3A_95] : memref<1x64xf32, #tpu.memory_space<vmem>>, vector<1x64xf32>
    %get3A_97 = arith.constant 0 : index
    %get3A_98 = arith.constant 0 : index
    %get3A_99 = vector.load %arg9[%get3A_97, %get3A_98] : memref<1x64xf32, #tpu.memory_space<vmem>>, vector<1x64xf32>
    %reduce_sum3A_100 = arith.constant dense<0.000000e+00> : vector<12480xf32>
    %reduce_sum3A_101 = vector.multi_reduction <add>, %add3A_93, %reduce_sum3A_100 [1] : vector<12480x64xf32> to vector<12480xf32>
    %broadcast_in_dim3A_102 = vector.shape_cast %reduce_sum3A_101 : vector<12480xf32> to vector<12480x1xf32>
    %div3A_103 = arith.constant 6.400000e+01 : f32
    %div3A_104 = vector.broadcast %div3A_103 : f32 to vector<12480x1xf32>
    %div3A_105 = arith.divf %broadcast_in_dim3A_102, %div3A_104 : vector<12480x1xf32>
    %jit3A_106 = arith.constant 0 : i32
    %reduce_sum3A_107 = arith.constant dense<0.000000e+00> : vector<12480xf32>
    %reduce_sum3A_108 = vector.multi_reduction <add>, %add3A_93, %reduce_sum3A_107 [1] : vector<12480x64xf32> to vector<12480xf32>
    %broadcast_in_dim3A_109 = vector.shape_cast %reduce_sum3A_108 : vector<12480xf32> to vector<12480x1xf32>
    %div3A_110 = arith.constant 6.400000e+01 : f32
    %div3A_111 = vector.broadcast %div3A_110 : f32 to vector<12480x1xf32>
    %div3A_112 = arith.divf %broadcast_in_dim3A_109, %div3A_111 : vector<12480x1xf32>
    %sub3A_113 = vector.broadcast %div3A_112 : vector<12480x1xf32> to vector<12480x64xf32>
    %sub3A_114 = arith.subf %add3A_93, %sub3A_113 : vector<12480x64xf32>
    %square3A_115 = arith.mulf %sub3A_114, %sub3A_114 : vector<12480x64xf32>
    %convert_element_type3A_116 = arith.sitofp %jit3A_106 : i32 to f32
    %sub3A_117 = arith.constant 6.400000e+01 : f32
    %sub3A_118 = arith.subf %sub3A_117, %convert_element_type3A_116 : f32
    %reduce_sum3A_119 = arith.constant dense<0.000000e+00> : vector<12480xf32>
    %reduce_sum3A_120 = vector.multi_reduction <add>, %square3A_115, %reduce_sum3A_119 [1] : vector<12480x64xf32> to vector<12480xf32>
    %broadcast_in_dim3A_121 = vector.shape_cast %reduce_sum3A_120 : vector<12480xf32> to vector<12480x1xf32>
    %div3A_122 = vector.broadcast %sub3A_118 : f32 to vector<12480x1xf32>
    %div3A_123 = arith.divf %broadcast_in_dim3A_121, %div3A_122 : vector<12480x1xf32>
    %gt3A_124 = arith.constant 0.000000e+00 : f32
    %gt3A_125 = arith.cmpf ogt, %sub3A_118, %gt3A_124 : f32
    %jit3A_126 = arith.constant 0x7FC00000 : f32
    %broadcast_in_dim3A_127 = vector.broadcast %jit3A_126 : f32 to vector<12480x1xf32>
    %select_n3A_128 = arith.select %gt3A_125, %div3A_123, %broadcast_in_dim3A_127 : vector<12480x1xf32>
    %sub3A_129 = vector.broadcast %div3A_105 : vector<12480x1xf32> to vector<12480x64xf32>
    %sub3A_130 = arith.subf %add3A_93, %sub3A_129 : vector<12480x64xf32>
    %add3A_131 = arith.constant 9.99999974E-6 : f32
    %add3A_132 = vector.broadcast %add3A_131 : f32 to vector<12480x1xf32>
    %add3A_133 = arith.addf %select_n3A_128, %add3A_132 : vector<12480x1xf32>
    %sqrt3A_134 = math.sqrt %add3A_133 : vector<12480x1xf32>
    %div3A_135 = vector.broadcast %sqrt3A_134 : vector<12480x1xf32> to vector<12480x64xf32>
    %div3A_136 = arith.divf %sub3A_130, %div3A_135 : vector<12480x64xf32>
    %mul3A_137 = vector.broadcast %get3A_96 : vector<1x64xf32> to vector<12480x64xf32>
    %mul3A_138 = arith.mulf %div3A_136, %mul3A_137 : vector<12480x64xf32>
    %add3A_139 = vector.broadcast %get3A_99 : vector<1x64xf32> to vector<12480x64xf32>
    %add3A_140 = arith.addf %mul3A_138, %add3A_139 : vector<12480x64xf32>
    %max3A_141 = arith.constant 0.000000e+00 : f32
    %max3A_142 = vector.broadcast %max3A_141 : f32 to vector<12480x64xf32>
    %max3A_143 = arith.maximumf %add3A_140, %max3A_142 : vector<12480x64xf32>
    %slice3A_144 = vector.extract_strided_slice %max3A_143 {offsets = [0, 0], sizes = [832, 64], strides = [1, 1]} : vector<12480x64xf32> to vector<832x64xf32>
    %slice3A_145 = vector.extract_strided_slice %max3A_143 {offsets = [832, 0], sizes = [832, 64], strides = [1, 1]} : vector<12480x64xf32> to vector<832x64xf32>
    %max3A_146 = arith.maximumf %slice3A_144, %slice3A_145 : vector<832x64xf32>
    %slice3A_147 = vector.extract_strided_slice %max3A_143 {offsets = [1664, 0], sizes = [832, 64], strides = [1, 1]} : vector<12480x64xf32> to vector<832x64xf32>
    %max3A_148 = arith.maximumf %max3A_146, %slice3A_147 : vector<832x64xf32>
    %slice3A_149 = vector.extract_strided_slice %max3A_143 {offsets = [2496, 0], sizes = [832, 64], strides = [1, 1]} : vector<12480x64xf32> to vector<832x64xf32>
    %max3A_150 = arith.maximumf %max3A_148, %slice3A_149 : vector<832x64xf32>
    %slice3A_151 = vector.extract_strided_slice %max3A_143 {offsets = [3328, 0], sizes = [832, 64], strides = [1, 1]} : vector<12480x64xf32> to vector<832x64xf32>
    %max3A_152 = arith.maximumf %max3A_150, %slice3A_151 : vector<832x64xf32>
    %slice3A_153 = vector.extract_strided_slice %max3A_143 {offsets = [4160, 0], sizes = [832, 64], strides = [1, 1]} : vector<12480x64xf32> to vector<832x64xf32>
    %max3A_154 = arith.maximumf %max3A_152, %slice3A_153 : vector<832x64xf32>
    %slice3A_155 = vector.extract_strided_slice %max3A_143 {offsets = [4992, 0], sizes = [832, 64], strides = [1, 1]} : vector<12480x64xf32> to vector<832x64xf32>
    %max3A_156 = arith.maximumf %max3A_154, %slice3A_155 : vector<832x64xf32>
    %slice3A_157 = vector.extract_strided_slice %max3A_143 {offsets = [5824, 0], sizes = [832, 64], strides = [1, 1]} : vector<12480x64xf32> to vector<832x64xf32>
    %max3A_158 = arith.maximumf %max3A_156, %slice3A_157 : vector<832x64xf32>
    %slice3A_159 = vector.extract_strided_slice %max3A_143 {offsets = [6656, 0], sizes = [832, 64], strides = [1, 1]} : vector<12480x64xf32> to vector<832x64xf32>
    %max3A_160 = arith.maximumf %max3A_158, %slice3A_159 : vector<832x64xf32>
    %slice3A_161 = vector.extract_strided_slice %max3A_143 {offsets = [7488, 0], sizes = [832, 64], strides = [1, 1]} : vector<12480x64xf32> to vector<832x64xf32>
    %max3A_162 = arith.maximumf %max3A_160, %slice3A_161 : vector<832x64xf32>
    %slice3A_163 = vector.extract_strided_slice %max3A_143 {offsets = [8320, 0], sizes = [832, 64], strides = [1, 1]} : vector<12480x64xf32> to vector<832x64xf32>
    %max3A_164 = arith.maximumf %max3A_162, %slice3A_163 : vector<832x64xf32>
    %slice3A_165 = vector.extract_strided_slice %max3A_143 {offsets = [9152, 0], sizes = [832, 64], strides = [1, 1]} : vector<12480x64xf32> to vector<832x64xf32>
    %max3A_166 = arith.maximumf %max3A_164, %slice3A_165 : vector<832x64xf32>
    %slice3A_167 = vector.extract_strided_slice %max3A_143 {offsets = [9984, 0], sizes = [832, 64], strides = [1, 1]} : vector<12480x64xf32> to vector<832x64xf32>
    %max3A_168 = arith.maximumf %max3A_166, %slice3A_167 : vector<832x64xf32>
    %slice3A_169 = vector.extract_strided_slice %max3A_143 {offsets = [10816, 0], sizes = [832, 64], strides = [1, 1]} : vector<12480x64xf32> to vector<832x64xf32>
    %max3A_170 = arith.maximumf %max3A_168, %slice3A_169 : vector<832x64xf32>
    %slice3A_171 = vector.extract_strided_slice %max3A_143 {offsets = [11648, 0], sizes = [832, 64], strides = [1, 1]} : vector<12480x64xf32> to vector<832x64xf32>
    %max3A_172 = arith.maximumf %max3A_170, %slice3A_171 : vector<832x64xf32>
    %get3A_173 = arith.constant 0 : index
    %get3A_174 = arith.constant 0 : index
    %get3A_175 = vector.load %arg10[%get3A_173, %get3A_174] : memref<128x64xf32, #tpu.memory_space<vmem>>, vector<64x64xf32>
    %dot_general3A_176 = arith.constant dense<0.000000e+00> : vector<12480x64xf32>
    %dot_general3A_177 = tpu.matmul %max3A_143, %get3A_175, %dot_general3A_176 {dimension_numbers = #tpu.dot_dimension_numbers<[1], [0], [0], [1], [0, 0, 1, 1], [], []>, transpose_lhs_hint = false} : vector<12480x64xf32>, vector<64x64xf32>, vector<12480x64xf32> -> vector<12480x64xf32>
    %get3A_178 = arith.constant 64 : index
    %get3A_179 = arith.constant 0 : index
    %get3A_180 = vector.load %arg10[%get3A_178, %get3A_179] : memref<128x64xf32, #tpu.memory_space<vmem>>, vector<64x64xf32>
    %dot_general3A_181 = arith.constant dense<0.000000e+00> : vector<832x64xf32>
    %dot_general3A_182 = tpu.matmul %max3A_172, %get3A_180, %dot_general3A_181 {dimension_numbers = #tpu.dot_dimension_numbers<[1], [0], [0], [1], [0, 0, 1, 1], [], []>, transpose_lhs_hint = false} : vector<832x64xf32>, vector<64x64xf32>, vector<832x64xf32> -> vector<832x64xf32>
    %concatenate3A_183 = tpu.concatenate %dot_general3A_182, %dot_general3A_182, %dot_general3A_182, %dot_general3A_182, %dot_general3A_182, %dot_general3A_182, %dot_general3A_182, %dot_general3A_182, %dot_general3A_182, %dot_general3A_182, %dot_general3A_182, %dot_general3A_182, %dot_general3A_182, %dot_general3A_182, %dot_general3A_182 in 0 : vector<832x64xf32>, vector<832x64xf32>, vector<832x64xf32>, vector<832x64xf32>, vector<832x64xf32>, vector<832x64xf32>, vector<832x64xf32>, vector<832x64xf32>, vector<832x64xf32>, vector<832x64xf32>, vector<832x64xf32>, vector<832x64xf32>, vector<832x64xf32>, vector<832x64xf32>, vector<832x64xf32> -> vector<12480x64xf32>
    %add3A_184 = arith.addf %dot_general3A_177, %concatenate3A_183 : vector<12480x64xf32>
    %get3A_185 = arith.constant 0 : index
    %get3A_186 = arith.constant 0 : index
    %get3A_187 = vector.load %arg11[%get3A_185, %get3A_186] : memref<1x64xf32, #tpu.memory_space<vmem>>, vector<1x64xf32>
    %add3A_188 = vector.broadcast %get3A_187 : vector<1x64xf32> to vector<12480x64xf32>
    %add3A_189 = arith.addf %add3A_184, %add3A_188 : vector<12480x64xf32>
    %get3A_190 = arith.constant 0 : index
    %get3A_191 = arith.constant 0 : index
    %get3A_192 = vector.load %arg12[%get3A_190, %get3A_191] : memref<1x64xf32, #tpu.memory_space<vmem>>, vector<1x64xf32>
    %get3A_193 = arith.constant 0 : index
    %get3A_194 = arith.constant 0 : index
    %get3A_195 = vector.load %arg13[%get3A_193, %get3A_194] : memref<1x64xf32, #tpu.memory_space<vmem>>, vector<1x64xf32>
    %reduce_sum3A_196 = arith.constant dense<0.000000e+00> : vector<12480xf32>
    %reduce_sum3A_197 = vector.multi_reduction <add>, %add3A_189, %reduce_sum3A_196 [1] : vector<12480x64xf32> to vector<12480xf32>
    %broadcast_in_dim3A_198 = vector.shape_cast %reduce_sum3A_197 : vector<12480xf32> to vector<12480x1xf32>
    %div3A_199 = arith.constant 6.400000e+01 : f32
    %div3A_200 = vector.broadcast %div3A_199 : f32 to vector<12480x1xf32>
    %div3A_201 = arith.divf %broadcast_in_dim3A_198, %div3A_200 : vector<12480x1xf32>
    %jit3A_202 = arith.constant 0 : i32
    %reduce_sum3A_203 = arith.constant dense<0.000000e+00> : vector<12480xf32>
    %reduce_sum3A_204 = vector.multi_reduction <add>, %add3A_189, %reduce_sum3A_203 [1] : vector<12480x64xf32> to vector<12480xf32>
    %broadcast_in_dim3A_205 = vector.shape_cast %reduce_sum3A_204 : vector<12480xf32> to vector<12480x1xf32>
    %div3A_206 = arith.constant 6.400000e+01 : f32
    %div3A_207 = vector.broadcast %div3A_206 : f32 to vector<12480x1xf32>
    %div3A_208 = arith.divf %broadcast_in_dim3A_205, %div3A_207 : vector<12480x1xf32>
    %sub3A_209 = vector.broadcast %div3A_208 : vector<12480x1xf32> to vector<12480x64xf32>
    %sub3A_210 = arith.subf %add3A_189, %sub3A_209 : vector<12480x64xf32>
    %square3A_211 = arith.mulf %sub3A_210, %sub3A_210 : vector<12480x64xf32>
    %convert_element_type3A_212 = arith.sitofp %jit3A_202 : i32 to f32
    %sub3A_213 = arith.constant 6.400000e+01 : f32
    %sub3A_214 = arith.subf %sub3A_213, %convert_element_type3A_212 : f32
    %reduce_sum3A_215 = arith.constant dense<0.000000e+00> : vector<12480xf32>
    %reduce_sum3A_216 = vector.multi_reduction <add>, %square3A_211, %reduce_sum3A_215 [1] : vector<12480x64xf32> to vector<12480xf32>
    %broadcast_in_dim3A_217 = vector.shape_cast %reduce_sum3A_216 : vector<12480xf32> to vector<12480x1xf32>
    %div3A_218 = vector.broadcast %sub3A_214 : f32 to vector<12480x1xf32>
    %div3A_219 = arith.divf %broadcast_in_dim3A_217, %div3A_218 : vector<12480x1xf32>
    %gt3A_220 = arith.constant 0.000000e+00 : f32
    %gt3A_221 = arith.cmpf ogt, %sub3A_214, %gt3A_220 : f32
    %jit3A_222 = arith.constant 0x7FC00000 : f32
    %broadcast_in_dim3A_223 = vector.broadcast %jit3A_222 : f32 to vector<12480x1xf32>
    %select_n3A_224 = arith.select %gt3A_221, %div3A_219, %broadcast_in_dim3A_223 : vector<12480x1xf32>
    %sub3A_225 = vector.broadcast %div3A_201 : vector<12480x1xf32> to vector<12480x64xf32>
    %sub3A_226 = arith.subf %add3A_189, %sub3A_225 : vector<12480x64xf32>
    %add3A_227 = arith.constant 9.99999974E-6 : f32
    %add3A_228 = vector.broadcast %add3A_227 : f32 to vector<12480x1xf32>
    %add3A_229 = arith.addf %select_n3A_224, %add3A_228 : vector<12480x1xf32>
    %sqrt3A_230 = math.sqrt %add3A_229 : vector<12480x1xf32>
    %div3A_231 = vector.broadcast %sqrt3A_230 : vector<12480x1xf32> to vector<12480x64xf32>
    %div3A_232 = arith.divf %sub3A_226, %div3A_231 : vector<12480x64xf32>
    %mul3A_233 = vector.broadcast %get3A_192 : vector<1x64xf32> to vector<12480x64xf32>
    %mul3A_234 = arith.mulf %div3A_232, %mul3A_233 : vector<12480x64xf32>
    %add3A_235 = vector.broadcast %get3A_195 : vector<1x64xf32> to vector<12480x64xf32>
    %add3A_236 = arith.addf %mul3A_234, %add3A_235 : vector<12480x64xf32>
    %max3A_237 = arith.constant 0.000000e+00 : f32
    %max3A_238 = vector.broadcast %max3A_237 : f32 to vector<12480x64xf32>
    %max3A_239 = arith.maximumf %add3A_236, %max3A_238 : vector<12480x64xf32>
    %slice3A_240 = vector.extract_strided_slice %max3A_239 {offsets = [0, 0], sizes = [832, 64], strides = [1, 1]} : vector<12480x64xf32> to vector<832x64xf32>
    %slice3A_241 = vector.extract_strided_slice %max3A_239 {offsets = [832, 0], sizes = [832, 64], strides = [1, 1]} : vector<12480x64xf32> to vector<832x64xf32>
    %max3A_242 = arith.maximumf %slice3A_240, %slice3A_241 : vector<832x64xf32>
    %slice3A_243 = vector.extract_strided_slice %max3A_239 {offsets = [1664, 0], sizes = [832, 64], strides = [1, 1]} : vector<12480x64xf32> to vector<832x64xf32>
    %max3A_244 = arith.maximumf %max3A_242, %slice3A_243 : vector<832x64xf32>
    %slice3A_245 = vector.extract_strided_slice %max3A_239 {offsets = [2496, 0], sizes = [832, 64], strides = [1, 1]} : vector<12480x64xf32> to vector<832x64xf32>
    %max3A_246 = arith.maximumf %max3A_244, %slice3A_245 : vector<832x64xf32>
    %slice3A_247 = vector.extract_strided_slice %max3A_239 {offsets = [3328, 0], sizes = [832, 64], strides = [1, 1]} : vector<12480x64xf32> to vector<832x64xf32>
    %max3A_248 = arith.maximumf %max3A_246, %slice3A_247 : vector<832x64xf32>
    %slice3A_249 = vector.extract_strided_slice %max3A_239 {offsets = [4160, 0], sizes = [832, 64], strides = [1, 1]} : vector<12480x64xf32> to vector<832x64xf32>
    %max3A_250 = arith.maximumf %max3A_248, %slice3A_249 : vector<832x64xf32>
    %slice3A_251 = vector.extract_strided_slice %max3A_239 {offsets = [4992, 0], sizes = [832, 64], strides = [1, 1]} : vector<12480x64xf32> to vector<832x64xf32>
    %max3A_252 = arith.maximumf %max3A_250, %slice3A_251 : vector<832x64xf32>
    %slice3A_253 = vector.extract_strided_slice %max3A_239 {offsets = [5824, 0], sizes = [832, 64], strides = [1, 1]} : vector<12480x64xf32> to vector<832x64xf32>
    %max3A_254 = arith.maximumf %max3A_252, %slice3A_253 : vector<832x64xf32>
    %slice3A_255 = vector.extract_strided_slice %max3A_239 {offsets = [6656, 0], sizes = [832, 64], strides = [1, 1]} : vector<12480x64xf32> to vector<832x64xf32>
    %max3A_256 = arith.maximumf %max3A_254, %slice3A_255 : vector<832x64xf32>
    %slice3A_257 = vector.extract_strided_slice %max3A_239 {offsets = [7488, 0], sizes = [832, 64], strides = [1, 1]} : vector<12480x64xf32> to vector<832x64xf32>
    %max3A_258 = arith.maximumf %max3A_256, %slice3A_257 : vector<832x64xf32>
    %slice3A_259 = vector.extract_strided_slice %max3A_239 {offsets = [8320, 0], sizes = [832, 64], strides = [1, 1]} : vector<12480x64xf32> to vector<832x64xf32>
    %max3A_260 = arith.maximumf %max3A_258, %slice3A_259 : vector<832x64xf32>
    %slice3A_261 = vector.extract_strided_slice %max3A_239 {offsets = [9152, 0], sizes = [832, 64], strides = [1, 1]} : vector<12480x64xf32> to vector<832x64xf32>
    %max3A_262 = arith.maximumf %max3A_260, %slice3A_261 : vector<832x64xf32>
    %slice3A_263 = vector.extract_strided_slice %max3A_239 {offsets = [9984, 0], sizes = [832, 64], strides = [1, 1]} : vector<12480x64xf32> to vector<832x64xf32>
    %max3A_264 = arith.maximumf %max3A_262, %slice3A_263 : vector<832x64xf32>
    %slice3A_265 = vector.extract_strided_slice %max3A_239 {offsets = [10816, 0], sizes = [832, 64], strides = [1, 1]} : vector<12480x64xf32> to vector<832x64xf32>
    %max3A_266 = arith.maximumf %max3A_264, %slice3A_265 : vector<832x64xf32>
    %slice3A_267 = vector.extract_strided_slice %max3A_239 {offsets = [11648, 0], sizes = [832, 64], strides = [1, 1]} : vector<12480x64xf32> to vector<832x64xf32>
    %max3A_268 = arith.maximumf %max3A_266, %slice3A_267 : vector<832x64xf32>
    %get3A_269 = arith.constant 0 : index
    %get3A_270 = arith.constant 0 : index
    %get3A_271 = vector.load %arg14[%get3A_269, %get3A_270] : memref<128x64xf32, #tpu.memory_space<vmem>>, vector<64x64xf32>
    %get3A_272 = arith.constant 64 : index
    %get3A_273 = arith.constant 0 : index
    %get3A_274 = vector.load %arg14[%get3A_272, %get3A_273] : memref<128x64xf32, #tpu.memory_space<vmem>>, vector<64x64xf32>
    %add3A_275 = arith.addf %get3A_271, %get3A_274 : vector<64x64xf32>
    %dot_general3A_276 = arith.constant dense<0.000000e+00> : vector<832x64xf32>
    %dot_general3A_277 = tpu.matmul %max3A_268, %add3A_275, %dot_general3A_276 {dimension_numbers = #tpu.dot_dimension_numbers<[1], [0], [0], [1], [0, 0, 1, 1], [], []>, transpose_lhs_hint = false} : vector<832x64xf32>, vector<64x64xf32>, vector<832x64xf32> -> vector<832x64xf32>
    %get3A_278 = arith.constant 0 : index
    %get3A_279 = arith.constant 0 : index
    %get3A_280 = vector.load %arg15[%get3A_278, %get3A_279] : memref<1x64xf32, #tpu.memory_space<vmem>>, vector<1x64xf32>
    %add3A_281 = vector.broadcast %get3A_280 : vector<1x64xf32> to vector<832x64xf32>
    %add3A_282 = arith.addf %dot_general3A_277, %add3A_281 : vector<832x64xf32>
    %get3A_283 = arith.constant 0 : index
    %get3A_284 = arith.constant 0 : index
    %get3A_285 = vector.load %arg16[%get3A_283, %get3A_284] : memref<64x64xf32, #tpu.memory_space<vmem>>, vector<64x64xf32>
    %dot_general3A_286 = arith.constant dense<0.000000e+00> : vector<832x64xf32>
    %dot_general3A_287 = tpu.matmul %add3A_282, %get3A_285, %dot_general3A_286 {dimension_numbers = #tpu.dot_dimension_numbers<[1], [0], [0], [1], [0, 0, 1, 1], [], []>, transpose_lhs_hint = false} : vector<832x64xf32>, vector<64x64xf32>, vector<832x64xf32> -> vector<832x64xf32>
    %get3A_288 = arith.constant 0 : index
    %get3A_289 = arith.constant 0 : index
    %get3A_290 = vector.load %arg17[%get3A_288, %get3A_289] : memref<64x64xf32, #tpu.memory_space<vmem>>, vector<64x64xf32>
    %dot_general3A_291 = arith.constant dense<0.000000e+00> : vector<832x64xf32>
    %dot_general3A_292 = tpu.matmul %add3A_282, %get3A_290, %dot_general3A_291 {dimension_numbers = #tpu.dot_dimension_numbers<[1], [0], [0], [1], [0, 0, 1, 1], [], []>, transpose_lhs_hint = false} : vector<832x64xf32>, vector<64x64xf32>, vector<832x64xf32> -> vector<832x64xf32>
    %get3A_293 = arith.constant 0 : index
    %get3A_294 = arith.constant 0 : index
    %get3A_295 = vector.load %arg18[%get3A_293, %get3A_294] : memref<64x64xf32, #tpu.memory_space<vmem>>, vector<64x64xf32>
    %dot_general3A_296 = arith.constant dense<0.000000e+00> : vector<832x64xf32>
    %dot_general3A_297 = tpu.matmul %add3A_282, %get3A_295, %dot_general3A_296 {dimension_numbers = #tpu.dot_dimension_numbers<[1], [0], [0], [1], [0, 0, 1, 1], [], []>, transpose_lhs_hint = false} : vector<832x64xf32>, vector<64x64xf32>, vector<832x64xf32> -> vector<832x64xf32>
    %dot_general3A_298 = arith.constant dense<0.000000e+00> : vector<832x832xf32>
    %dot_general3A_299 = tpu.matmul %dot_general3A_287, %dot_general3A_292, %dot_general3A_298 {dimension_numbers = #tpu.dot_dimension_numbers<[1], [1], [0], [0], [0, 0, 1, 0], [], []>, transpose_lhs_hint = false} : vector<832x64xf32>, vector<832x64xf32>, vector<832x832xf32> -> vector<832x832xf32>
    %mul3A_300 = arith.constant 1.250000e-01 : f32
    %mul3A_301 = vector.broadcast %mul3A_300 : f32 to vector<832x832xf32>
    %mul3A_302 = arith.mulf %dot_general3A_299, %mul3A_301 : vector<832x832xf32>
    %iota3A = tpu.iota {dimensions = array<i32: 0>} : vector<832x832xi32>
    %jit3A_303 = arith.constant 64 : i32
    %eq3A = arith.constant 0 : i32
    %eq3A_304 = arith.cmpi eq, %jit3A_303, %eq3A : i32
    %jit3A_305 = arith.constant 1 : i32
    %select_n3A_306 = arith.select %eq3A_304, %jit3A_305, %jit3A_303 : i32
    %rem3A = vector.broadcast %select_n3A_306 : i32 to vector<832x832xi32>
    %rem3A_307 = arith.remsi %iota3A, %rem3A : vector<832x832xi32>
    %ne3A = arith.constant 0 : i32
    %ne3A_308 = vector.broadcast %ne3A : i32 to vector<832x832xi32>
    %ne3A_309 = arith.cmpi ne, %rem3A_307, %ne3A_308 : vector<832x832xi32>
    %lt3A = arith.constant 0 : i32
    %lt3A_310 = vector.broadcast %lt3A : i32 to vector<832x832xi32>
    %lt3A_311 = arith.cmpi slt, %rem3A_307, %lt3A_310 : vector<832x832xi32>
    %lt3A_312 = arith.constant 0 : i32
    %lt3A_313 = arith.cmpi slt, %select_n3A_306, %lt3A_312 : i32
    %ne3A_314 = vector.broadcast %lt3A_313 : i1 to vector<832x832xi1>
    %ne3A_315 = vector.broadcast %ne3A_314 : vector<832x832xi1> to vector<832x832xi1>
    %ne3A_316 = arith.xori %lt3A_311, %ne3A_315 : vector<832x832xi1>
    %and3A = arith.andi %ne3A_316, %ne3A_309 : vector<832x832xi1>
    %add3A_317 = vector.broadcast %select_n3A_306 : i32 to vector<832x832xi32>
    %add3A_318 = arith.addi %rem3A_307, %add3A_317 : vector<832x832xi32>
    %select_n3A_319 = arith.select %and3A, %add3A_318, %rem3A_307 : vector<832x832xi1>, vector<832x832xi32>
    %iota3A_320 = tpu.iota {dimensions = array<i32: 1>} : vector<832x832xi32>
    %jit3A_321 = arith.constant 64 : i32
    %eq3A_322 = arith.constant 0 : i32
    %eq3A_323 = arith.cmpi eq, %jit3A_321, %eq3A_322 : i32
    %jit3A_324 = arith.constant 1 : i32
    %select_n3A_325 = arith.select %eq3A_323, %jit3A_324, %jit3A_321 : i32
    %rem3A_326 = vector.broadcast %select_n3A_325 : i32 to vector<832x832xi32>
    %rem3A_327 = arith.remsi %iota3A_320, %rem3A_326 : vector<832x832xi32>
    %ne3A_328 = arith.constant 0 : i32
    %ne3A_329 = vector.broadcast %ne3A_328 : i32 to vector<832x832xi32>
    %ne3A_330 = arith.cmpi ne, %rem3A_327, %ne3A_329 : vector<832x832xi32>
    %lt3A_331 = arith.constant 0 : i32
    %lt3A_332 = vector.broadcast %lt3A_331 : i32 to vector<832x832xi32>
    %lt3A_333 = arith.cmpi slt, %rem3A_327, %lt3A_332 : vector<832x832xi32>
    %lt3A_334 = arith.constant 0 : i32
    %lt3A_335 = arith.cmpi slt, %select_n3A_325, %lt3A_334 : i32
    %ne3A_336 = vector.broadcast %lt3A_335 : i1 to vector<832x832xi1>
    %ne3A_337 = vector.broadcast %ne3A_336 : vector<832x832xi1> to vector<832x832xi1>
    %ne3A_338 = arith.xori %lt3A_333, %ne3A_337 : vector<832x832xi1>
    %and3A_339 = arith.andi %ne3A_338, %ne3A_330 : vector<832x832xi1>
    %add3A_340 = vector.broadcast %select_n3A_325 : i32 to vector<832x832xi32>
    %add3A_341 = arith.addi %rem3A_327, %add3A_340 : vector<832x832xi32>
    %select_n3A_342 = arith.select %and3A_339, %add3A_341, %rem3A_327 : vector<832x832xi1>, vector<832x832xi32>
    %eq3A_343 = arith.cmpi eq, %select_n3A_319, %select_n3A_342 : vector<832x832xi32>
    %jit3A_344 = arith.constant -1.000000e+30 : f32
    %broadcast_in_dim3A_345 = vector.broadcast %jit3A_344 : f32 to vector<832x832xf32>
    %select_n3A_346 = arith.select %eq3A_343, %mul3A_302, %broadcast_in_dim3A_345 : vector<832x832xi1>, vector<832x832xf32>
    %reduce_max3A = arith.constant dense<0xFF800000> : vector<832xf32>
    %reduce_max3A_347 = vector.multi_reduction <maximumf>, %select_n3A_346, %reduce_max3A [1] : vector<832x832xf32> to vector<832xf32>
    %broadcast_in_dim3A_348 = vector.shape_cast %reduce_max3A_347 : vector<832xf32> to vector<832x1xf32>
    %sub3A_349 = vector.broadcast %broadcast_in_dim3A_348 : vector<832x1xf32> to vector<832x832xf32>
    %sub3A_350 = arith.subf %select_n3A_346, %sub3A_349 : vector<832x832xf32>
    %exp3A = math.exp %sub3A_350 : vector<832x832xf32>
    %reduce_sum3A_351 = arith.constant dense<0.000000e+00> : vector<832xf32>
    %reduce_sum3A_352 = vector.multi_reduction <add>, %exp3A, %reduce_sum3A_351 [1] : vector<832x832xf32> to vector<832xf32>
    %broadcast_in_dim3A_353 = vector.shape_cast %reduce_sum3A_352 : vector<832xf32> to vector<832x1xf32>
    %div3A_354 = vector.broadcast %broadcast_in_dim3A_353 : vector<832x1xf32> to vector<832x832xf32>
    %div3A_355 = arith.divf %exp3A, %div3A_354 : vector<832x832xf32>
    %dot_general3A_356 = arith.constant dense<0.000000e+00> : vector<832x64xf32>
    %dot_general3A_357 = tpu.matmul %div3A_355, %dot_general3A_297, %dot_general3A_356 {dimension_numbers = #tpu.dot_dimension_numbers<[1], [0], [0], [1], [0, 0, 1, 1], [], []>, transpose_lhs_hint = false} : vector<832x832xf32>, vector<832x64xf32>, vector<832x64xf32> -> vector<832x64xf32>
    %slice3A_358 = vector.extract_strided_slice %dot_general3A_357 {offsets = [0, 0], sizes = [64, 64], strides = [1, 1]} : vector<832x64xf32> to vector<64x64xf32>
    %get3A_359 = arith.constant 0 : index
    %get3A_360 = arith.constant 0 : index
    %get3A_361 = vector.load %arg19[%get3A_359, %get3A_360] : memref<832x64xf32, #tpu.memory_space<vmem>>, vector<64x64xf32>
    %dot_general3A_362 = arith.constant dense<0.000000e+00> : vector<64x64xf32>
    %dot_general3A_363 = tpu.matmul %slice3A_358, %get3A_361, %dot_general3A_362 {dimension_numbers = #tpu.dot_dimension_numbers<[1], [0], [0], [1], [0, 0, 1, 1], [], []>, transpose_lhs_hint = false} : vector<64x64xf32>, vector<64x64xf32>, vector<64x64xf32> -> vector<64x64xf32>
    %slice3A_364 = vector.extract_strided_slice %dot_general3A_357 {offsets = [64, 0], sizes = [64, 64], strides = [1, 1]} : vector<832x64xf32> to vector<64x64xf32>
    %get3A_365 = arith.constant 64 : index
    %get3A_366 = arith.constant 0 : index
    %get3A_367 = vector.load %arg19[%get3A_365, %get3A_366] : memref<832x64xf32, #tpu.memory_space<vmem>>, vector<64x64xf32>
    %dot_general3A_368 = arith.constant dense<0.000000e+00> : vector<64x64xf32>
    %dot_general3A_369 = tpu.matmul %slice3A_364, %get3A_367, %dot_general3A_368 {dimension_numbers = #tpu.dot_dimension_numbers<[1], [0], [0], [1], [0, 0, 1, 1], [], []>, transpose_lhs_hint = false} : vector<64x64xf32>, vector<64x64xf32>, vector<64x64xf32> -> vector<64x64xf32>
    %add3A_370 = arith.addf %dot_general3A_363, %dot_general3A_369 : vector<64x64xf32>
    %slice3A_371 = vector.extract_strided_slice %dot_general3A_357 {offsets = [128, 0], sizes = [64, 64], strides = [1, 1]} : vector<832x64xf32> to vector<64x64xf32>
    %get3A_372 = arith.constant 128 : index
    %get3A_373 = arith.constant 0 : index
    %get3A_374 = vector.load %arg19[%get3A_372, %get3A_373] : memref<832x64xf32, #tpu.memory_space<vmem>>, vector<64x64xf32>
    %dot_general3A_375 = arith.constant dense<0.000000e+00> : vector<64x64xf32>
    %dot_general3A_376 = tpu.matmul %slice3A_371, %get3A_374, %dot_general3A_375 {dimension_numbers = #tpu.dot_dimension_numbers<[1], [0], [0], [1], [0, 0, 1, 1], [], []>, transpose_lhs_hint = false} : vector<64x64xf32>, vector<64x64xf32>, vector<64x64xf32> -> vector<64x64xf32>
    %add3A_377 = arith.addf %add3A_370, %dot_general3A_376 : vector<64x64xf32>
    %slice3A_378 = vector.extract_strided_slice %dot_general3A_357 {offsets = [192, 0], sizes = [64, 64], strides = [1, 1]} : vector<832x64xf32> to vector<64x64xf32>
    %get3A_379 = arith.constant 192 : index
    %get3A_380 = arith.constant 0 : index
    %get3A_381 = vector.load %arg19[%get3A_379, %get3A_380] : memref<832x64xf32, #tpu.memory_space<vmem>>, vector<64x64xf32>
    %dot_general3A_382 = arith.constant dense<0.000000e+00> : vector<64x64xf32>
    %dot_general3A_383 = tpu.matmul %slice3A_378, %get3A_381, %dot_general3A_382 {dimension_numbers = #tpu.dot_dimension_numbers<[1], [0], [0], [1], [0, 0, 1, 1], [], []>, transpose_lhs_hint = false} : vector<64x64xf32>, vector<64x64xf32>, vector<64x64xf32> -> vector<64x64xf32>
    %add3A_384 = arith.addf %add3A_377, %dot_general3A_383 : vector<64x64xf32>
    %slice3A_385 = vector.extract_strided_slice %dot_general3A_357 {offsets = [256, 0], sizes = [64, 64], strides = [1, 1]} : vector<832x64xf32> to vector<64x64xf32>
    %get3A_386 = arith.constant 256 : index
    %get3A_387 = arith.constant 0 : index
    %get3A_388 = vector.load %arg19[%get3A_386, %get3A_387] : memref<832x64xf32, #tpu.memory_space<vmem>>, vector<64x64xf32>
    %dot_general3A_389 = arith.constant dense<0.000000e+00> : vector<64x64xf32>
    %dot_general3A_390 = tpu.matmul %slice3A_385, %get3A_388, %dot_general3A_389 {dimension_numbers = #tpu.dot_dimension_numbers<[1], [0], [0], [1], [0, 0, 1, 1], [], []>, transpose_lhs_hint = false} : vector<64x64xf32>, vector<64x64xf32>, vector<64x64xf32> -> vector<64x64xf32>
    %add3A_391 = arith.addf %add3A_384, %dot_general3A_390 : vector<64x64xf32>
    %slice3A_392 = vector.extract_strided_slice %dot_general3A_357 {offsets = [320, 0], sizes = [64, 64], strides = [1, 1]} : vector<832x64xf32> to vector<64x64xf32>
    %get3A_393 = arith.constant 320 : index
    %get3A_394 = arith.constant 0 : index
    %get3A_395 = vector.load %arg19[%get3A_393, %get3A_394] : memref<832x64xf32, #tpu.memory_space<vmem>>, vector<64x64xf32>
    %dot_general3A_396 = arith.constant dense<0.000000e+00> : vector<64x64xf32>
    %dot_general3A_397 = tpu.matmul %slice3A_392, %get3A_395, %dot_general3A_396 {dimension_numbers = #tpu.dot_dimension_numbers<[1], [0], [0], [1], [0, 0, 1, 1], [], []>, transpose_lhs_hint = false} : vector<64x64xf32>, vector<64x64xf32>, vector<64x64xf32> -> vector<64x64xf32>
    %add3A_398 = arith.addf %add3A_391, %dot_general3A_397 : vector<64x64xf32>
    %slice3A_399 = vector.extract_strided_slice %dot_general3A_357 {offsets = [384, 0], sizes = [64, 64], strides = [1, 1]} : vector<832x64xf32> to vector<64x64xf32>
    %get3A_400 = arith.constant 384 : index
    %get3A_401 = arith.constant 0 : index
    %get3A_402 = vector.load %arg19[%get3A_400, %get3A_401] : memref<832x64xf32, #tpu.memory_space<vmem>>, vector<64x64xf32>
    %dot_general3A_403 = arith.constant dense<0.000000e+00> : vector<64x64xf32>
    %dot_general3A_404 = tpu.matmul %slice3A_399, %get3A_402, %dot_general3A_403 {dimension_numbers = #tpu.dot_dimension_numbers<[1], [0], [0], [1], [0, 0, 1, 1], [], []>, transpose_lhs_hint = false} : vector<64x64xf32>, vector<64x64xf32>, vector<64x64xf32> -> vector<64x64xf32>
    %add3A_405 = arith.addf %add3A_398, %dot_general3A_404 : vector<64x64xf32>
    %slice3A_406 = vector.extract_strided_slice %dot_general3A_357 {offsets = [448, 0], sizes = [64, 64], strides = [1, 1]} : vector<832x64xf32> to vector<64x64xf32>
    %get3A_407 = arith.constant 448 : index
    %get3A_408 = arith.constant 0 : index
    %get3A_409 = vector.load %arg19[%get3A_407, %get3A_408] : memref<832x64xf32, #tpu.memory_space<vmem>>, vector<64x64xf32>
    %dot_general3A_410 = arith.constant dense<0.000000e+00> : vector<64x64xf32>
    %dot_general3A_411 = tpu.matmul %slice3A_406, %get3A_409, %dot_general3A_410 {dimension_numbers = #tpu.dot_dimension_numbers<[1], [0], [0], [1], [0, 0, 1, 1], [], []>, transpose_lhs_hint = false} : vector<64x64xf32>, vector<64x64xf32>, vector<64x64xf32> -> vector<64x64xf32>
    %add3A_412 = arith.addf %add3A_405, %dot_general3A_411 : vector<64x64xf32>
    %slice3A_413 = vector.extract_strided_slice %dot_general3A_357 {offsets = [512, 0], sizes = [64, 64], strides = [1, 1]} : vector<832x64xf32> to vector<64x64xf32>
    %get3A_414 = arith.constant 512 : index
    %get3A_415 = arith.constant 0 : index
    %get3A_416 = vector.load %arg19[%get3A_414, %get3A_415] : memref<832x64xf32, #tpu.memory_space<vmem>>, vector<64x64xf32>
    %dot_general3A_417 = arith.constant dense<0.000000e+00> : vector<64x64xf32>
    %dot_general3A_418 = tpu.matmul %slice3A_413, %get3A_416, %dot_general3A_417 {dimension_numbers = #tpu.dot_dimension_numbers<[1], [0], [0], [1], [0, 0, 1, 1], [], []>, transpose_lhs_hint = false} : vector<64x64xf32>, vector<64x64xf32>, vector<64x64xf32> -> vector<64x64xf32>
    %add3A_419 = arith.addf %add3A_412, %dot_general3A_418 : vector<64x64xf32>
    %slice3A_420 = vector.extract_strided_slice %dot_general3A_357 {offsets = [576, 0], sizes = [64, 64], strides = [1, 1]} : vector<832x64xf32> to vector<64x64xf32>
    %get3A_421 = arith.constant 576 : index
    %get3A_422 = arith.constant 0 : index
    %get3A_423 = vector.load %arg19[%get3A_421, %get3A_422] : memref<832x64xf32, #tpu.memory_space<vmem>>, vector<64x64xf32>
    %dot_general3A_424 = arith.constant dense<0.000000e+00> : vector<64x64xf32>
    %dot_general3A_425 = tpu.matmul %slice3A_420, %get3A_423, %dot_general3A_424 {dimension_numbers = #tpu.dot_dimension_numbers<[1], [0], [0], [1], [0, 0, 1, 1], [], []>, transpose_lhs_hint = false} : vector<64x64xf32>, vector<64x64xf32>, vector<64x64xf32> -> vector<64x64xf32>
    %add3A_426 = arith.addf %add3A_419, %dot_general3A_425 : vector<64x64xf32>
    %slice3A_427 = vector.extract_strided_slice %dot_general3A_357 {offsets = [640, 0], sizes = [64, 64], strides = [1, 1]} : vector<832x64xf32> to vector<64x64xf32>
    %get3A_428 = arith.constant 640 : index
    %get3A_429 = arith.constant 0 : index
    %get3A_430 = vector.load %arg19[%get3A_428, %get3A_429] : memref<832x64xf32, #tpu.memory_space<vmem>>, vector<64x64xf32>
    %dot_general3A_431 = arith.constant dense<0.000000e+00> : vector<64x64xf32>
    %dot_general3A_432 = tpu.matmul %slice3A_427, %get3A_430, %dot_general3A_431 {dimension_numbers = #tpu.dot_dimension_numbers<[1], [0], [0], [1], [0, 0, 1, 1], [], []>, transpose_lhs_hint = false} : vector<64x64xf32>, vector<64x64xf32>, vector<64x64xf32> -> vector<64x64xf32>
    %add3A_433 = arith.addf %add3A_426, %dot_general3A_432 : vector<64x64xf32>
    %slice3A_434 = vector.extract_strided_slice %dot_general3A_357 {offsets = [704, 0], sizes = [64, 64], strides = [1, 1]} : vector<832x64xf32> to vector<64x64xf32>
    %get3A_435 = arith.constant 704 : index
    %get3A_436 = arith.constant 0 : index
    %get3A_437 = vector.load %arg19[%get3A_435, %get3A_436] : memref<832x64xf32, #tpu.memory_space<vmem>>, vector<64x64xf32>
    %dot_general3A_438 = arith.constant dense<0.000000e+00> : vector<64x64xf32>
    %dot_general3A_439 = tpu.matmul %slice3A_434, %get3A_437, %dot_general3A_438 {dimension_numbers = #tpu.dot_dimension_numbers<[1], [0], [0], [1], [0, 0, 1, 1], [], []>, transpose_lhs_hint = false} : vector<64x64xf32>, vector<64x64xf32>, vector<64x64xf32> -> vector<64x64xf32>
    %add3A_440 = arith.addf %add3A_433, %dot_general3A_439 : vector<64x64xf32>
    %slice3A_441 = vector.extract_strided_slice %dot_general3A_357 {offsets = [768, 0], sizes = [64, 64], strides = [1, 1]} : vector<832x64xf32> to vector<64x64xf32>
    %get3A_442 = arith.constant 768 : index
    %get3A_443 = arith.constant 0 : index
    %get3A_444 = vector.load %arg19[%get3A_442, %get3A_443] : memref<832x64xf32, #tpu.memory_space<vmem>>, vector<64x64xf32>
    %dot_general3A_445 = arith.constant dense<0.000000e+00> : vector<64x64xf32>
    %dot_general3A_446 = tpu.matmul %slice3A_441, %get3A_444, %dot_general3A_445 {dimension_numbers = #tpu.dot_dimension_numbers<[1], [0], [0], [1], [0, 0, 1, 1], [], []>, transpose_lhs_hint = false} : vector<64x64xf32>, vector<64x64xf32>, vector<64x64xf32> -> vector<64x64xf32>
    %add3A_447 = arith.addf %add3A_440, %dot_general3A_446 : vector<64x64xf32>
    %get3A_448 = arith.constant 0 : index
    %get3A_449 = arith.constant 0 : index
    %get3A_450 = vector.load %arg20[%get3A_448, %get3A_449] : memref<1x64xf32, #tpu.memory_space<vmem>>, vector<1x64xf32>
    %add3A_451 = vector.broadcast %get3A_450 : vector<1x64xf32> to vector<64x64xf32>
    %add3A_452 = arith.addf %add3A_447, %add3A_451 : vector<64x64xf32>
    %get3A_453 = arith.constant 0 : index
    %get3A_454 = arith.constant 0 : index
    %get3A_455 = vector.load %arg21[%get3A_453, %get3A_454] : memref<1x64xf32, #tpu.memory_space<vmem>>, vector<1x64xf32>
    %get3A_456 = arith.constant 0 : index
    %get3A_457 = arith.constant 0 : index
    %get3A_458 = vector.load %arg22[%get3A_456, %get3A_457] : memref<1x64xf32, #tpu.memory_space<vmem>>, vector<1x64xf32>
    %reduce_sum3A_459 = arith.constant dense<0.000000e+00> : vector<64xf32>
    %reduce_sum3A_460 = vector.multi_reduction <add>, %add3A_452, %reduce_sum3A_459 [1] : vector<64x64xf32> to vector<64xf32>
    %broadcast_in_dim3A_461 = vector.shape_cast %reduce_sum3A_460 : vector<64xf32> to vector<64x1xf32>
    %div3A_462 = arith.constant 6.400000e+01 : f32
    %div3A_463 = vector.broadcast %div3A_462 : f32 to vector<64x1xf32>
    %div3A_464 = arith.divf %broadcast_in_dim3A_461, %div3A_463 : vector<64x1xf32>
    %jit3A_465 = arith.constant 0 : i32
    %reduce_sum3A_466 = arith.constant dense<0.000000e+00> : vector<64xf32>
    %reduce_sum3A_467 = vector.multi_reduction <add>, %add3A_452, %reduce_sum3A_466 [1] : vector<64x64xf32> to vector<64xf32>
    %broadcast_in_dim3A_468 = vector.shape_cast %reduce_sum3A_467 : vector<64xf32> to vector<64x1xf32>
    %div3A_469 = arith.constant 6.400000e+01 : f32
    %div3A_470 = vector.broadcast %div3A_469 : f32 to vector<64x1xf32>
    %div3A_471 = arith.divf %broadcast_in_dim3A_468, %div3A_470 : vector<64x1xf32>
    %sub3A_472 = vector.broadcast %div3A_471 : vector<64x1xf32> to vector<64x64xf32>
    %sub3A_473 = arith.subf %add3A_452, %sub3A_472 : vector<64x64xf32>
    %square3A_474 = arith.mulf %sub3A_473, %sub3A_473 : vector<64x64xf32>
    %convert_element_type3A_475 = arith.sitofp %jit3A_465 : i32 to f32
    %sub3A_476 = arith.constant 6.400000e+01 : f32
    %sub3A_477 = arith.subf %sub3A_476, %convert_element_type3A_475 : f32
    %reduce_sum3A_478 = arith.constant dense<0.000000e+00> : vector<64xf32>
    %reduce_sum3A_479 = vector.multi_reduction <add>, %square3A_474, %reduce_sum3A_478 [1] : vector<64x64xf32> to vector<64xf32>
    %broadcast_in_dim3A_480 = vector.shape_cast %reduce_sum3A_479 : vector<64xf32> to vector<64x1xf32>
    %div3A_481 = vector.broadcast %sub3A_477 : f32 to vector<64x1xf32>
    %div3A_482 = arith.divf %broadcast_in_dim3A_480, %div3A_481 : vector<64x1xf32>
    %gt3A_483 = arith.constant 0.000000e+00 : f32
    %gt3A_484 = arith.cmpf ogt, %sub3A_477, %gt3A_483 : f32
    %jit3A_485 = arith.constant 0x7FC00000 : f32
    %broadcast_in_dim3A_486 = vector.broadcast %jit3A_485 : f32 to vector<64x1xf32>
    %select_n3A_487 = arith.select %gt3A_484, %div3A_482, %broadcast_in_dim3A_486 : vector<64x1xf32>
    %sub3A_488 = vector.broadcast %div3A_464 : vector<64x1xf32> to vector<64x64xf32>
    %sub3A_489 = arith.subf %add3A_452, %sub3A_488 : vector<64x64xf32>
    %add3A_490 = arith.constant 9.99999974E-6 : f32
    %add3A_491 = vector.broadcast %add3A_490 : f32 to vector<64x1xf32>
    %add3A_492 = arith.addf %select_n3A_487, %add3A_491 : vector<64x1xf32>
    %sqrt3A_493 = math.sqrt %add3A_492 : vector<64x1xf32>
    %div3A_494 = vector.broadcast %sqrt3A_493 : vector<64x1xf32> to vector<64x64xf32>
    %div3A_495 = arith.divf %sub3A_489, %div3A_494 : vector<64x64xf32>
    %mul3A_496 = vector.broadcast %get3A_455 : vector<1x64xf32> to vector<64x64xf32>
    %mul3A_497 = arith.mulf %div3A_495, %mul3A_496 : vector<64x64xf32>
    %add3A_498 = vector.broadcast %get3A_458 : vector<1x64xf32> to vector<64x64xf32>
    %add3A_499 = arith.addf %mul3A_497, %add3A_498 : vector<64x64xf32>
    %max3A_500 = arith.constant 0.000000e+00 : f32
    %max3A_501 = vector.broadcast %max3A_500 : f32 to vector<64x64xf32>
    %max3A_502 = arith.maximumf %add3A_499, %max3A_501 : vector<64x64xf32>
    %get3A_503 = arith.constant 0 : index
    %get3A_504 = arith.constant 0 : index
    %get3A_505 = vector.load %arg23[%get3A_503, %get3A_504] : memref<64x30xf32, #tpu.memory_space<vmem>>, vector<64x30xf32>
    %dot_general3A_506 = arith.constant dense<0.000000e+00> : vector<64x30xf32>
    %dot_general3A_507 = tpu.matmul %max3A_502, %get3A_505, %dot_general3A_506 {dimension_numbers = #tpu.dot_dimension_numbers<[1], [0], [0], [1], [0, 0, 1, 1], [], []>, transpose_lhs_hint = false} : vector<64x64xf32>, vector<64x30xf32>, vector<64x30xf32> -> vector<64x30xf32>
    %get3A_508 = arith.constant 0 : index
    %get3A_509 = arith.constant 0 : index
    %get3A_510 = vector.load %arg24[%get3A_508, %get3A_509] : memref<1x30xf32, #tpu.memory_space<vmem>>, vector<1x30xf32>
    %add3A_511 = vector.broadcast %get3A_510 : vector<1x30xf32> to vector<64x30xf32>
    %add3A_512 = arith.addf %dot_general3A_507, %add3A_511 : vector<64x30xf32>
    %logistic3A = arith.negf %add3A_512 : vector<64x30xf32>
    %logistic3A_513 = math.exp %logistic3A : vector<64x30xf32>
    %logistic3A_514 = arith.constant 1.000000e+00 : f32
    %logistic3A_515 = vector.broadcast %logistic3A_514 : f32 to vector<64x30xf32>
    %logistic3A_516 = arith.addf %logistic3A_515, %logistic3A_513 : vector<64x30xf32>
    %logistic3A_517 = arith.divf %logistic3A_515, %logistic3A_516 : vector<64x30xf32>
    %mul3A_518 = arith.constant 3.000000e+01 : f32
    %mul3A_519 = vector.broadcast %mul3A_518 : f32 to vector<64x30xf32>
    %mul3A_520 = arith.mulf %logistic3A_517, %mul3A_519 : vector<64x30xf32>
    %swap3A = arith.constant 0 : index
    %swap3A_521 = arith.constant 0 : index
    %swap3A_522 = vector.load %arg25[%swap3A, %swap3A_521] : memref<64x30xf32, #tpu.memory_space<vmem>>, vector<64x30xf32>
    tpu.vector_store %arg25[%swap3A, %swap3A_521], %mul3A_520 {strides = array<i32>} : memref<64x30xf32, #tpu.memory_space<vmem>>, vector<64x30xf32>,
    return
  }
  func.func @transform_0(%arg0: i32) -> (i32, i32, i32) {
    %c0_i32 = arith.constant 0 : i32
    %c0_i32_0 = arith.constant 0 : i32
    %c0_i32_1 = arith.constant 0 : i32
    return %arg0, %c0_i32, %c0_i32_0 : i32, i32, i32
  }
  func.func @transform_1(%arg0: i32) -> (i32, i32) {
    %c0_i32 = arith.constant 0 : i32
    %c0_i32_0 = arith.constant 0 : i32
    %c0_i32_1 = arith.constant 0 : i32
    return %c0_i32, %c0_i32_0 : i32, i32
  }
  func.func @transform_2(%arg0: i32) -> (i32, i32) {
    %c0_i32 = arith.constant 0 : i32
    %c0_i32_0 = arith.constant 0 : i32
    %c0_i32_1 = arith.constant 0 : i32
    return %c0_i32, %c0_i32_0 : i32, i32
  }
  func.func @transform_3(%arg0: i32) -> (i32, i32) {
    %c0_i32 = arith.constant 0 : i32
    %c0_i32_0 = arith.constant 0 : i32
    %c0_i32_1 = arith.constant 0 : i32
    return %c0_i32, %c0_i32_0 : i32, i32
  }
  func.func @transform_4(%arg0: i32) -> (i32, i32) {
    %c0_i32 = arith.constant 0 : i32
    %c0_i32_0 = arith.constant 0 : i32
    %c0_i32_1 = arith.constant 0 : i32
    return %c0_i32, %c0_i32_0 : i32, i32
  }
  func.func @transform_5(%arg0: i32) -> (i32, i32) {
    %c0_i32 = arith.constant 0 : i32
    %c0_i32_0 = arith.constant 0 : i32
    %c0_i32_1 = arith.constant 0 : i32
    return %c0_i32, %c0_i32_0 : i32, i32
  }
  func.func @transform_6(%arg0: i32) -> (i32, i32) {
    %c0_i32 = arith.constant 0 : i32
    %c0_i32_0 = arith.constant 0 : i32
    %c0_i32_1 = arith.constant 0 : i32
    return %c0_i32, %c0_i32_0 : i32, i32
  }
  func.func @transform_7(%arg0: i32) -> (i32, i32) {
    %c0_i32 = arith.constant 0 : i32
    %c0_i32_0 = arith.constant 0 : i32
    %c0_i32_1 = arith.constant 0 : i32
    return %c0_i32, %c0_i32_0 : i32, i32
  }
  func.func @transform_8(%arg0: i32) -> (i32, i32) {
    %c0_i32 = arith.constant 0 : i32
    %c0_i32_0 = arith.constant 0 : i32
    %c0_i32_1 = arith.constant 0 : i32
    return %c0_i32, %c0_i32_0 : i32, i32
  }
  func.func @transform_9(%arg0: i32) -> (i32, i32) {
    %c0_i32 = arith.constant 0 : i32
    %c0_i32_0 = arith.constant 0 : i32
    %c0_i32_1 = arith.constant 0 : i32
    return %c0_i32, %c0_i32_0 : i32, i32
  }
  func.func @transform_10(%arg0: i32) -> (i32, i32) {
    %c0_i32 = arith.constant 0 : i32
    %c0_i32_0 = arith.constant 0 : i32
    %c0_i32_1 = arith.constant 0 : i32
    return %c0_i32, %c0_i32_0 : i32, i32
  }
  func.func @transform_11(%arg0: i32) -> (i32, i32) {
    %c0_i32 = arith.constant 0 : i32
    %c0_i32_0 = arith.constant 0 : i32
    %c0_i32_1 = arith.constant 0 : i32
    return %c0_i32, %c0_i32_0 : i32, i32
  }
  func.func @transform_12(%arg0: i32) -> (i32, i32) {
    %c0_i32 = arith.constant 0 : i32
    %c0_i32_0 = arith.constant 0 : i32
    %c0_i32_1 = arith.constant 0 : i32
    return %c0_i32, %c0_i32_0 : i32, i32
  }
  func.func @transform_13(%arg0: i32) -> (i32, i32) {
    %c0_i32 = arith.constant 0 : i32
    %c0_i32_0 = arith.constant 0 : i32
    %c0_i32_1 = arith.constant 0 : i32
    return %c0_i32, %c0_i32_0 : i32, i32
  }
  func.func @transform_14(%arg0: i32) -> (i32, i32) {
    %c0_i32 = arith.constant 0 : i32
    %c0_i32_0 = arith.constant 0 : i32
    %c0_i32_1 = arith.constant 0 : i32
    return %c0_i32, %c0_i32_0 : i32, i32
  }
  func.func @transform_15(%arg0: i32) -> (i32, i32) {
    %c0_i32 = arith.constant 0 : i32
    %c0_i32_0 = arith.constant 0 : i32
    %c0_i32_1 = arith.constant 0 : i32
    return %c0_i32, %c0_i32_0 : i32, i32
  }
  func.func @transform_16(%arg0: i32) -> (i32, i32) {
    %c0_i32 = arith.constant 0 : i32
    %c0_i32_0 = arith.constant 0 : i32
    %c0_i32_1 = arith.constant 0 : i32
    return %c0_i32, %c0_i32_0 : i32, i32
  }
  func.func @transform_17(%arg0: i32) -> (i32, i32) {
    %c0_i32 = arith.constant 0 : i32
    %c0_i32_0 = arith.constant 0 : i32
    %c0_i32_1 = arith.constant 0 : i32
    return %c0_i32, %c0_i32_0 : i32, i32
  }
  func.func @transform_18(%arg0: i32) -> (i32, i32) {
    %c0_i32 = arith.constant 0 : i32
    %c0_i32_0 = arith.constant 0 : i32
    %c0_i32_1 = arith.constant 0 : i32
    return %c0_i32, %c0_i32_0 : i32, i32
  }
  func.func @transform_19(%arg0: i32) -> (i32, i32) {
    %c0_i32 = arith.constant 0 : i32
    %c0_i32_0 = arith.constant 0 : i32
    %c0_i32_1 = arith.constant 0 : i32
    return %c0_i32, %c0_i32_0 : i32, i32
  }
  func.func @transform_20(%arg0: i32) -> (i32, i32) {
    %c0_i32 = arith.constant 0 : i32
    %c0_i32_0 = arith.constant 0 : i32
    %c0_i32_1 = arith.constant 0 : i32
    return %c0_i32, %c0_i32_0 : i32, i32
  }
  func.func @transform_21(%arg0: i32) -> (i32, i32) {
    %c0_i32 = arith.constant 0 : i32
    %c0_i32_0 = arith.constant 0 : i32
    %c0_i32_1 = arith.constant 0 : i32
    return %c0_i32, %c0_i32_0 : i32, i32
  }
  func.func @transform_22(%arg0: i32) -> (i32, i32) {
    %c0_i32 = arith.constant 0 : i32
    %c0_i32_0 = arith.constant 0 : i32
    %c0_i32_1 = arith.constant 0 : i32
    return %c0_i32, %c0_i32_0 : i32, i32
  }
  func.func @transform_23(%arg0: i32) -> (i32, i32) {
    %c0_i32 = arith.constant 0 : i32
    %c0_i32_0 = arith.constant 0 : i32
    %c0_i32_1 = arith.constant 0 : i32
    return %c0_i32, %c0_i32_0 : i32, i32
  }
  func.func @transform_24(%arg0: i32) -> (i32, i32) {
    %c0_i32 = arith.constant 0 : i32
    %c0_i32_0 = arith.constant 0 : i32
    return %arg0, %c0_i32 : i32, i32
  }
}

</mosaic_0001>

<sc_bundles>
// kernel: gather_offload_async_start
scs
__scs_entry_jumppad:
0x0: {  	(pc) =	sbr.rel $0x88, $3  }
0x1: {  	(tag) =	ssettag $0x0;
	lr =	simm.s32 $0x1  }
0x2: {  	[smem:$0x3F89] =	sst lr;
	_ =	strace $0xD0000000  }
0x3: {  	_ = 	snop  }
0x4: {  	_ = 	snop  }
0x5: {  	_ = 	snop  }
0x6: {  	_ = 	snop  }
0x7: {  	_ = 	snop  }
__scs_overlays_trampoline_lowered:
0x8: {  	[smem:$0x3F98] =	sst s0  }
0x9: {  	[smem:$0x3F99] =	sst s1  }
0xa: {  	[smem:$0x3F9A] =	sst s2  }
0xb: {  	[smem:$0x3F9B] =	sst s3  }
0xc: {  	[smem:$0x3F9C] =	sst s4  }
0xd: {  	[smem:$0x3F9D] =	sst s5  }
0xe: {  	[smem:$0x3F9E] =	sst s6  }
0xf: {  	[smem:$0x3F9F] =	sst s7  }
0x10: {  	[smem:$0x3FA0] =	sst s8  }
0x11: {  	[smem:$0x3FA1] =	sst s9;
	s0 =	simm.s32 @!p0 $0x0  }
0x12: {  	s1 =	sld [smem:$0x3F87];
	s0 =	simm.s32 @p0 $0x1  }
0x13: {  	[smem:$0x3FA2] =	sst s0;
	s0 =	simm.s32 @!p1 $0x0  }
0x14: {  	s2 =	sld [smem:$0x3F86];
	s0 =	simm.s32 @p1 $0x1  }
0x15: {  	[smem:$0x3FA3] =	sst s0;
	s0 =	simm.s32 @!p2 $0x0  }
0x16: {  	s3 =	sld [smem:$0x3FDB];
	s0 =	simm.s32 @p2 $0x1  }
0x17: {  	s4 =	simm.s32 $0x1BF5;
	[smem:$0x3FA5] =	sst s0  }
0x18: {  	s0 =	sld [smem:$0x3F88];
	_ =	swait.ge [sflag:s4], $0x0  }
0x19: {  	s7 =	sld [smem:$0x3F89]  }
0x1a: {  	s8 =	sadd.s32 $0xFFFFE003, lr  }
0x1b: {  	s9 =	sadd.s32 $0xFFFFFEF7, lr;
	s5 =	simm.s32 $0xFFFFFFFF;
	p2 =	slt.u32 s8, $0xFFFFF086  }
0x1c: {  	p1 =	slt.u32 s9, $0xF7A;
	s5 =	simm.s32 @!p2 $0x0  }
0x1d: {  	s5 =	simm.s32 @p1 $0x1;
	p0 =	seq.s32 s7, s2  }
0x1e: {  	s7 =	smul.u32 @!p0 $0xF7A, s2;
	p2 =	seq.s32 @!p0 s5, $0x0  }
0x1f: {  	s9 =	smul.u32 $0xF7A, s1;
	s8 =	simm.s32 @!p0 $0x1BF5;
	p2 =	por !p2, p0  }
0x20: {  	[sflag:s8] =	ssyncset.s32 @!p0 $0xFFFFF086;
	s6 =	sadd.s32 @!p0 s3, s7;
	s7 =	simm.s32 @!p0 $0x108  }
0x21: {  	s3 =	sadd.s32 s3, s9;
	s6 =	sadd.s32 @!p0 $0x88, s6;
	s7 =	simm.s32 @p2 $0x1082  }
0x22: {  	[simem:s7], [sflag:s8] =	dma.local @!p0 [hbm:s6], $0xF7A  }
0x23: {  	s9 =	sor.u32 $0xD0000000, s2;
	s6 =	simm.s32 $0x108;
	_ =	swait.ge @!p0 [sflag:s8], $0x0  }
0x24: {  	s3 =	sadd.s32 $0x88, s3;
	s6 =	simm.s32 @!p1 $0x1082;
	[sflag:s4] =	ssyncset.s32 $0xFFFFF086  }
0x25: {  	[simem:s6], [sflag:s4] =	dma.local [hbm:s3], $0xF7A  }
0x26: {  	[smem:$0x3F89] =	sst s1;
	(tag) =	ssettag s2;
	_ =	strace s9  }
0x27: {  	s1 =	sld [smem:$0x3F99]  }
0x28: {  	s2 =	sld [smem:$0x3F9A]  }
0x29: {  	s4 =	sld [smem:$0x3F9C]  }
0x2a: {  	p0 =	seq.s32 s5, $0x0;
	s5 =	sld [smem:$0x3F9D]  }
0x2b: {  	s6 =	sld [smem:$0x3F9E]  }
0x2c: {  	s7 =	sld [smem:$0x3F9F]  }
0x2d: {  	s3 =	simm.s32 $0x108;
	s8 =	sld [smem:$0x3FA0]  }
0x2e: {  	s3 =	simm.s32 @!p0 $0x1082;
	s9 =	sld [smem:$0x3FA1]  }
0x2f: {  	lr =	sadd.s32 s0, s3;
	s0 =	sld [smem:$0x3F98]  }
0x30: {  	s3 =	sld [smem:$0x3F9B]  }
0x31: {  	[smem:$0x3FA4] =	sst s10  }
0x32: {  	s10 =	sld [smem:$0x3FA2];
	_ =	sdelay $0x3  }
0x33: {  	p0 =	seq.s32 s10, $0x1;
	s10 =	sld [smem:$0x3FA4];
	_ =	sdelay $0x3  }
0x34: {  	[smem:$0x3FA4] =	sst s10  }
0x35: {  	s10 =	sld [smem:$0x3FA3];
	_ =	sdelay $0x3  }
0x36: {  	p1 =	seq.s32 s10, $0x1;
	s10 =	sld [smem:$0x3FA4];
	_ =	sdelay $0x3  }
0x37: {  	[smem:$0x3FA4] =	sst s10  }
0x38: {  	s10 =	sld [smem:$0x3FA5]  }
0x39: {  	_ = 	snop;
	(pc) =	sbr.ind lr, $3  }
0x3a: {  	_ = 	snop  }
0x3b: {  	_ = 	snop  }
0x3c: {  	p2 =	seq.s32 s10, $0x1;
	s10 =	sld [smem:$0x3FA4]  }
0x3d: {  	_ =	shalt  }
0x3e: {  	_ =	shalt  }
0x3f: {  	_ =	shalt  }
0x40: {  	_ =	shalt  }
0x41: {  	_ =	shalt  }
0x42: {  	_ =	shalt  }
0x43: {  	_ =	shalt  }
0x44: {  	_ =	shalt  }
0x45: {  	_ =	shalt  }
0x46: {  	_ =	shalt  }
0x47: {  	_ =	shalt  }
0x48: {  	_ =	shalt  }
0x49: {  	_ =	shalt  }
0x4a: {  	_ =	shalt  }
0x4b: {  	_ =	shalt  }
0x4c: {  	_ =	shalt  }
0x4d: {  	_ =	shalt  }
0x4e: {  	_ =	shalt  }
0x4f: {  	_ =	shalt  }
0x50: {  	_ =	shalt  }
0x51: {  	_ =	shalt  }
0x52: {  	_ =	shalt  }
0x53: {  	_ =	shalt  }
0x54: {  	_ =	shalt  }
0x55: {  	_ =	shalt  }
0x56: {  	_ =	shalt  }
0x57: {  	_ =	shalt  }
0x58: {  	_ =	shalt  }
0x59: {  	_ =	shalt  }
0x5a: {  	_ =	shalt  }
0x5b: {  	_ =	shalt  }
0x5c: {  	_ =	shalt  }
0x5d: {  	_ =	shalt  }
0x5e: {  	_ =	shalt  }
0x5f: {  	_ =	shalt  }
0x60: {  	_ =	shalt  }
0x61: {  	_ =	shalt  }
0x62: {  	_ =	shalt  }
0x63: {  	_ =	shalt  }
0x64: {  	_ =	shalt  }
0x65: {  	_ =	shalt  }
0x66: {  	_ =	shalt  }
0x67: {  	_ =	shalt  }
0x68: {  	_ =	shalt  }
0x69: {  	_ =	shalt  }
0x6a: {  	_ =	shalt  }
0x6b: {  	_ =	shalt  }
0x6c: {  	_ =	shalt  }
0x6d: {  	_ =	shalt  }
0x6e: {  	_ =	shalt  }
0x6f: {  	_ =	shalt  }
0x70: {  	_ =	shalt  }
0x71: {  	_ =	shalt  }
0x72: {  	_ =	shalt  }
0x73: {  	_ =	shalt  }
0x74: {  	_ =	shalt  }
0x75: {  	_ =	shalt  }
0x76: {  	_ =	shalt  }
0x77: {  	_ =	shalt  }
0x78: {  	_ =	shalt  }
0x79: {  	_ =	shalt  }
0x7a: {  	_ =	shalt  }
0x7b: {  	_ =	shalt  }
0x7c: {  	_ =	shalt  }
0x7d: {  	_ =	shalt  }
0x7e: {  	_ =	shalt  }
0x7f: {  	_ =	shalt  }
0x80: {  	_ =	shalt  }
0x81: {  	_ =	shalt  }
0x82: {  	_ =	shalt  }
0x83: {  	_ =	shalt  }
0x84: {  	_ =	shalt  }
0x85: {  	_ =	shalt  }
0x86: {  	_ =	shalt  }
0x87: {  	_ =	shalt  }
.Lfunc_end0:
.L_simem_size_0:
called_computation_lowered:
.L_overlay_start_0:
0x88: {  	s2 =	sld [smem:$0x3FD9]  }
0x89: {  	s3 =	sld [smem:$0x3FFE];
	_ =	sdelay $0x1  }
0x8a: {  	s1 =	srdreg.scid  }
0x8b: {  	s0 =	sand.u32 $0x1, s1  }
0x8c: {  	s16 =	sshll.u32 s0, $0xA;
	s2 =	sadd.s32 s3, s2  }
0x8d: {  	s2 =	sadd.s32 s2, s16  }
0x8e: {  	[smem:$0x3FB0] =	sst s2  }
0x8f: {  	_ = 	snop  }
0x90: {  	(tm) =	ssettm $0x1  }
0x91: {  	s17 =	sld [smem:$0x3FFB];
	_ =	sdelay $0x3  }
0x92: {  	_ =	strace s17  }
0x93: {  	s2 =	sld [smem:$0x3FFC];
	_ =	sdelay $0x3  }
0x94: {  	_ =	strace s2  }
0x95: {  	s2 =	sld [smem:$0x3FFD];
	_ =	sdelay $0x3  }
0x96: {  	_ =	strace s2  }
0x97: {  	_ =	strace $0x8FFFFFFF  }
0x98: {  	s18 =	sld [smem:$0x3FDB];
	_ =	sdelay $0x1  }
0x99: {  	s19 =	simm.s32 $_scs_section_size  }
0x9a: {  	s4 =	simm.s32 $_size__tile_overlayer_lowered;
	s5 =	simm.s32 $_tile_overlayer_lowered  }
0x9b: {  	s22 =	simm.s32 $0x1BFF;
	s21 =	sshll.u32 s5, $0x1;
	s2 =	sadd.s32 s19, s18  }
0x9c: {  	s6 =	simm.s32 $0x0;
	s20 =	sshll.u32 s4, $0x1;
	s4 =	sadd.s32 s21, s2  }
0x9d: {  	[timem:s6], [sflag:s22] =	dma.local [hbm:s4], s20  }
0x9e: {  	_ =	swait.ge [sflag:s22], s20  }
0x9f: {  	s3 =	ssub.s32 $0x0, s20;
	[sflag:s22] =	ssyncset.done $0x0  }
0xa0: {  	[sflag:s22] =	ssyncadd.s32 s3;
	_ =	sdelay $0x1  }
0xa1: {  	s23 =	simm.s32 $0x1B8B  }
0xa2: {  	_ =	swait.ge [sflag:s23], $0x1  }
0xa3: {  	[sflag:s23] =	ssyncset.done $0x0  }
0xa4: {  	s25 =	simm.s32 $0x1B8E;
	s24 =	sld [smem:$0x3FFE];
	[sflag:s23] =	ssyncadd.s32 $0xFFFFFFFF  }
0xa5: {  	s26 =	simm.s32 $execute0_lowered;
	[smem:$0x3FD2] =	sst s25  }
0xa6: {  	s4 =	sshll.u32 s26, $0x1;
	_ =	strace $0x80000046;
	[dreg:$0x1] =	wrdreg $0xFFFFFFFF  }
0xa7: {  	s28 =	simm.s32 $_size_execute0_lowered;
	s2 =	sadd.s32 s2, s4;
	[dreg:$0x0] =	wrdreg $0x0  }
0xa8: {  	s4 =	sshll.u32 s28, $0x1;
	[dreg:$0x2] =	wrdreg s2  }
0xa9: {  	[dreg:$0x3] =	wrdreg s4  }
0xaa: {  	[dreg:$0x4] =	wrdreg $0xC0  }
0xab: {  	_ =	task [dreg:s6], $0x5FFFF  }
0xac: {  	[dreg:$0x1] =	wrdreg $0xFFFFFFFF  }
0xad: {  	[dreg:$0x0] =	wrdreg $0x60  }
0xae: {  	[dreg:$0x2] =	wrdreg s24  }
0xaf: {  	[dreg:$0x3] =	wrdreg $0x9  }
0xb0: {  	_ =	task.clear_ibuf [dreg:s6], $0x4FFFF;
	_ =	strace $0x90000046  }
0xb1: {  	s29 =	simm.s32 $0x9;
	_ =	strace $0x80000048  }
0xb2: {  	_ =	swait.ge [sflag:s29], $0x1  }
0xb3: {  	[sflag:s29] =	ssyncadd.s32 $0xFFFFFFFF  }
0xb4: {  	_ =	strace $0x90000048  }
0xb5: {  	_ =	sfence  }
0xb6: {  	s30 =	sld [smem:$0x0];
	_ =	sdelay $0x2  }
0xb7: {  	s31 =	sshll.u32 s1, $0xD;
	s1 =	sshrl.u32 s1, $0x2  }
0xb8: {  	s3 =	sand.u32 $0x4000, s31;
	s1 =	sadd.s32 s1, s30  }
0xb9: {  	s0 =	sor.u32 s3, s0;
	s1 =	sshll.u32 s1, $0x11  }
0xba: {  	s0 =	sor.u32 s1, s0  }
0xbb: {  	s0 =	sadd.s32 $0x8F2B, s0  }
0xbc: {  	[sflag:s0] =	ssyncadd.remote.s32 $0x1  }
0xbd: {  	_ =	sfence.sel $0xFFFF  }
0xbe: {  	[dreg:$0x0] =	wrdreg $0xFFFFFFFF;
	(pc) =	sbr.abs _section_cstart, $3  }
0xbf: {  	[dreg:$0x1] =	wrdreg $0xFFFFFFFF  }
0xc0: {  	_ =	task.clear_ibuf [dreg:s6], $0x2FFFF;
	_ =	strace $0x9FFFFFFF  }
0xc1: {  	(tm) =	ssettm $0x7FFFFFFF  }
tec
execute0_lowered:
.L_overlay_start_1:
0x0: {  	(tag) =	ssettag $0x1  }
0x1: {  	s0 =	srdreg.scid  }
0x2: {  	s1 =	sshll.u32 s0, $0x4  }
0x3: {  	s0 =	stileid.u32;
	s1 =	sand.u32 $0x10, s1  }
0x4: {  	s1 =	sor.u32 s0, s1  }
0x5: {  	s2 =	smin.u32 s1, $0x4;
	s3 =	sshll.u32 s1, $0x3  }
0x6: {  	s2 =	sor.u32 s2, s3  }
0x7: {  	p0 =	slt.u32 s1, $0x4;
	s1 =	simm.s32 $0xD80;
	s2 =	smul.u32 $0x180, s2  }
0x8: {  	s1 =	simm.s32 @!p0 $0xC00  }
0x9: {  	s1 =	sadd.s32 s1, s2  }
0xa: {  	s3 =	smin.u32 s1, $0x18600  }
0xb: {  	s7 =	ssub.s32 s3, s2  }
0xc: {  	p0 =	sgt.s32 s7, $0x0  }
0xd: {  	s7 =	simm.s32 @!p0 $0x0  }
0xe: {  	s4 =	smulhi.u32 $0x2AAAAAAB, s7  }
0xf: {  	s9 =	rddreg [dreg:$0x0];
	s6 =	simm.s32 $0x1;
	s11 =	simm.s32 $0x3  }
0x10: {  	s13 =	simm.s32 $0x0;
	s12 =	simm.s32 $0x0;
	s8 =	sshrl.u32 s4, $0x6  }
0x11: {  	s1 =	rddreg [dreg:$0x1];
	_ =	strace $0x80000047;
	s10 =	smul.u32 $0x180, s8  }
.Ltmp0:
0x12: {  	s5 =	sadd.s32 $0x189400, s9;
	[sflag:s6] =	ssyncpa.u1 $0x0;
	(pc) =	sbr.rel .LBB2_1-.Ltmp0, $4  }
0x13: {  	s4 =	sadd.s32 $0x3400, s9;
	p0 =	sne.s32 s7, s10;
	s10 =	simm.s32 $0x1  }
0x14: {  	s9 =	sadd.s32 $0x18C600, s9;
	s7 =	simm.s32 $0x2;
	s10 =	simm.s32 @!p0 $0x0  }
0x15: {  	[sflag:s7] =	ssyncpa.u1 $0x0;
	p0 =	por $0x0, $0x0;
	s8 =	sadd.s32 s10, s8  }
0x16: {  	vm0 =	vmmov $0xff;
	vm1 =	vcmask $0x3F20;
	[sflag:s11] =	ssyncpa.u1 $0x0;
	s11 =	smov.u32 s2;
	s10 =	sadd.s32 $0x1, s8  }
.LBB2_6:
0x17: {  	[hbm:s17] =	stream.linear.scatter [tilespmem:s14], [sflag:$0x3], $0x400, $0x38;
	[tilespmem:$0x18300] =	vst v63  }
.LBB2_7:
0x18: {  	s13 =	sadd.s32 $0x180, s11  }
0x19: {  	s15 =	smov.u32 s2;
	p2 =	slt.s32 s13, s3  }
0x1a: {  	s15 =	smov.u32 @p2 s13;
	p2 =	sne.s32 s12, s10  }
.Ltmp1:
0x1b: {  	p1 =	slt.u32 s12, $0x2;
	(pc) =	sbr.rel @!p2 .LBB2_8-.Ltmp1, $4  }
0x1c: {  	s14 =	simm.s32 @!p1 $0x3  }
0x1d: {  	s16 =	sadd.s32 $0x1, s12;
	_ =	swait.ge @!p1 [sflag:s14], $0xC000  }
0x1e: {  	p0 =	por !p0, !p0;
	s13 =	smov.u32 s11;
	[sflag:s14] =	ssyncset.done @!p1 $0x0  }
0x1f: {  	s12 =	smov.u32 s16;
	s11 =	smov.u32 s15;
	[sflag:s14] =	ssyncadd.s32 @!p1 $0xFFFF4000  }
.LBB2_1:
0x20: {  	p1 =	sge.u32 s12, s8  }
0x21: {  	s14 =	sxor.u32 @!p1 $0xFFFFFFFF, s12  }
0x22: {  	s14 =	sand.u32 @!p1 $0x1, s14  }
0x23: {  	s14 =	smul.u32 @!p1 $0x600, s14  }
0x24: {  	s31 =	sadd.s32 $0xFFFFFFFF, s12;
	s15 =	sshrl.u32 @!p1 s11, $0x3  }
0x25: {  	s16 =	sand.u32 @!p1 $0x7, s11;
	s15 =	sadd.s32 @!p1 s5, s15;
	s14 =	sshrl.u32 @!p1 s14, $0x2  }
0x26: {  	[tilespmem:s14], [sflag:$0x2] =	stream.linear.gather @!p1 [hbm4b:s15+s16], $0x180, $0x38;
	[tilespmem:$0x18300] =	vst v63  }
0x27: {  	p1 =	sge.u32 s31, s8  }
.Ltmp2:
0x28: {  	_ = 	snop;
	(pc) =	sbr.rel @p1 .LBB2_7-.Ltmp2, $1  }
0x29: {  	_ =	sdelay $0x3  }
0x2a: {  	s14 =	simm.s32 $0x1  }
0x2b: {  	s14 =	simm.s32 @!p0 $0x0  }
0x2c: {  	s15 =	smul.u32 $0x600, s14  }
0x2d: {  	_ =	swait.ge [sflag:s7], $0x180  }
0x2e: {  	[sflag:s7] =	ssyncset.done $0x0;
	s16 =	sshrl.u32 s15, $0x2  }
0x2f: {  	[sflag:s7] =	ssyncadd.s32 $0xFFFFFE80;
	s15 =	sadd.s32 $0x0, s16  }
0x30: {  	v0 =	vld.msk [tilespmem:s15+$0x0 ss:$0x1], $0xffff;
	_ =	sdelay $0x4  }
0x31: {  	vm2 =	vgt.s32 v0, $0x0  }
0x32: {  	v0 =	vnsel vm2, $0x0, v0  }
0x33: {  	v0 =	vmin.u32 v0, $0x185FF  }
0x34: {  	v0 =	vshll.u32 v0, $0x4  }
0x35: {  	s14 =	smul.u32 $0x30000, s14;
	_ =	sdelay $0x1  }
0x36: {  	s14 =	sshrl.u32 s14, $0x2  }
0x37: {  	s14 =	sor.u32 $0x300, s14  }
0x38: {  	[tilespmem:s14], [sflag:$0x1] =	stream.indirect_vreg.gather [hbm:s4], $0x80, v0, vm0, $0x38;
	[tilespmem:$0x18300] =	vst v63  }
0x39: {  	s17 =	sadd.s32 $0x10, s16;
	s15 =	sadd.s32 $0x400, s14  }
0x3a: {  	[tilespmem:s15], [sflag:$0x1] =	stream.indirect_vreg.gather [hbm:s4], $0x80, v0, vm1, $0x38;
	[tilespmem:$0x18300] =	vst v63  }
0x3b: {  	s18 =	simm.s32 $0x80;
	v0 =	vld.msk [tilespmem:s17+$0x0 ss:$0x1], $0xffff;
	s17 =	smov.u32 s14  }
.LBB2_3:
0x3c: {  	p1 =	sne.s32 s18, $0x5C0;
	_ =	sdelay $0x4  }
0x3d: {  	vm2 =	vgt.s32 v0, $0x0  }
0x3e: {  	v0 =	vnsel vm2, $0x0, v0  }
0x3f: {  	v0 =	vmin.u32 v0, $0x185FF  }
0x40: {  	v0 =	vshll.u32 v0, $0x4;
	_ =	sdelay $0x3  }
.Ltmp3:
0x41: {  	s19 =	sshra.s32 s18, $0x2;
	s17 =	sadd.s32 $0x800, s17;
	(pc) =	sbr.rel @p1 .LBB2_3-.Ltmp3, $4  }
0x42: {  	[tilespmem:s17], [sflag:$0x1] =	stream.indirect_vreg.gather [hbm:s4], $0x80, v0, vm0, $0x38;
	[tilespmem:$0x18300] =	vst v63  }
0x43: {  	s19 =	sadd.s32 s19, s16;
	s20 =	sadd.s32 $0x400, s17  }
0x44: {  	[tilespmem:s20], [sflag:$0x1] =	stream.indirect_vreg.gather [hbm:s4], $0x80, v0, vm1, $0x38;
	[tilespmem:$0x18300] =	vst v63  }
0x45: {  	s18 =	sadd.s32 $0x40, s18;
	v0 =	vld.msk [tilespmem:s19+$0x0 ss:$0x1], $0xffff  }
0x46: {  	_ =	sdelay $0x3  }
0x47: {  	vm2 =	vgt.s32 v0, $0x0  }
0x48: {  	v0 =	vnsel vm2, $0x0, v0  }
0x49: {  	v0 =	vmin.u32 v0, $0x185FF  }
0x4a: {  	v0 =	vshll.u32 v0, $0x4;
	_ =	sdelay $0x3  }
0x4b: {  	s16 =	sadd.s32 $0x800, s17  }
0x4c: {  	[tilespmem:s16], [sflag:$0x1] =	stream.indirect_vreg.gather [hbm:s4], $0x80, v0, vm0, $0x38;
	[tilespmem:$0x18300] =	vst v63  }
0x4d: {  	s16 =	sadd.s32 $0x400, s16  }
0x4e: {  	[tilespmem:s16], [sflag:$0x1] =	stream.indirect_vreg.gather [hbm:s4], $0x80, v0, vm1, $0x38;
	[tilespmem:$0x18300] =	vst v63  }
0x4f: {  	s13 =	sshll.u32 s13, $0x4;
	_ =	swait.ge [sflag:s6], $0xC000  }
0x50: {  	s13 =	sadd.s32 s13, s9;
	[sflag:s6] =	ssyncset.done $0x0  }
0x51: {  	s17 =	sadd.s32 $0x0, s13;
	s16 =	simm.s32 $0x80;
	[sflag:s6] =	ssyncadd.s32 $0xFFFF4000  }
.LBB2_5:
0x52: {  	[hbm:s17] =	stream.linear.scatter [tilespmem:s14], [sflag:$0x3], $0x400, $0x38;
	[tilespmem:$0x18300] =	vst v63  }
0x53: {  	s17 =	smov.u32 s16;
	s14 =	smov.u32 s15;
	p1 =	sne.s32 s16, $0x1780  }
.Ltmp4:
0x54: {  	s16 =	sadd.s32 $0x80, s16;
	(pc) =	sbr.rel @p1 .LBB2_5-.Ltmp4, $2  }
0x55: {  	_ =	sdelay $0x2  }
0x56: {  	s15 =	sadd.s32 $0x400, s15;
	s17 =	sadd.s32 s17, s13  }
.Ltmp5:
0x57: {  	_ = 	snop;
	(pc) =	sbr.rel .LBB2_6-.Ltmp5, $1  }
0x58: {  	_ =	sdelay $0x3  }
.LBB2_8:
0x59: {  	_ =	sfence.sel $0x180000  }
0x5a: {  	s2 =	simm.s32 $0x2;
	[bflag:$0x0] =	sbarrier.arrive $0xFFFF  }
0x5b: {  	s30 =	simm.s32 $0x3;
	[sflag:s2] =	ssyncpa.u1 $0x1  }
0x5c: {  	s31 =	simm.s32 $0x1;
	[sflag:s30] =	ssyncpa.u1 $0x1  }
0x5d: {  	[sflag:s31] =	ssyncpa.u1 $0x1  }
0x5e: {  	p0 =	sne.s32 s0, $0x0;
	_ =	strace $0x90000047  }
0x5f: {  	s0 =	sadd.s32 @!p0 $0x100000, s1;
	[bflag:$0x2] =	sbarrier.arrive $0xFFFF  }
0x60: {  	[sflag:s0] =	ssyncadd.tile.s32 @!p0 $0x1;
	_ =	shalt  }
.Lfunc_end2:
_tile_overlayer_lowered:
.L_overlay_start_2:
0x61: {  	(tag) =	ssettag $0x2  }
0x62: {  	s0 =	rddreg [dreg:$0x0];
	s2 =	stileid.u32  }
0x63: {  	s1 =	rddreg [dreg:$0x1];
	p0 =	sne.s32 s2, $0x0  }
0x64: {  	s3 =	rddreg [dreg:$0x2];
	[bflag:$0x3] =	sbarrier.arrive $0xFFFF;
	s2 =	simm.s32 @!p0 $0x1C01  }
0x65: {  	[timem:s3], [sflag:s2] =	dma.local @!p0 [hbm:s0], s1  }
0x66: {  	s0 =	simm.s32 @!p0 $0x1  }
0x67: {  	_ =	swait.ge @!p0 [sflag:s0], s1  }
0x68: {  	s1 =	ssub.s32 @!p0 $0x0, s1;
	[sflag:s0] =	ssyncset.done @!p0 $0x0  }
0x69: {  	[sflag:s0] =	ssyncadd.s32 @!p0 s1  }
0x6a: {  	[bflag:$0x3] =	sbarrier.arrive $0xFFFF  }
0x6b: {  	_ =	shalt  }

</sc_bundles>
